<compile_context>
chip_gen: v7x
topology: tpu7x:2x2x1
jax: 0.10.2.dev20260603
libtpu: 0.0.44.dev20260713+nightly
codegen_flags: <defaults>
</compile_context>

<pallas_src>
import dataclasses
import functools

import jax
import jax.numpy as jnp
from jax import lax
from jax.experimental import pallas as pl
from jax.experimental.pallas import tpu as pltpu
from jax.experimental.pallas import tpu_sc as plsc

NC = 2
NS = 16
NW = NC * NS
CHUNK = 128
DEG_W = 16


def _ceil_to(a, m):
    return (a + m - 1) // m * m


def _tc_matmul(x, W):
    n, d_in = x.shape
    d_out = W.shape[0]
    bn = 1024

    def body(x_ref, w_ref, o_ref):
        o_ref[...] = lax.dot_general(
            x_ref[...], w_ref[...], (((1,), (1,)), ((), ())),
            preferred_element_type=jnp.float32,
            precision=lax.Precision.HIGHEST)

    return pl.pallas_call(
        body,
        grid=(n // bn,),
        in_specs=[pl.BlockSpec((bn, d_in), lambda i: (i, 0)),
                  pl.BlockSpec((d_out, d_in), lambda i: (0, 0))],
        out_specs=pl.BlockSpec((bn, d_out), lambda i: (i, 0)),
        out_shape=jax.ShapeDtypeStruct((n, d_out), jnp.float32),
    )(x, W)


def _deg_col(d_ref):
    ones = jnp.ones((NW, 1), jnp.float32)
    return lax.dot_general(d_ref[...], ones, (((0,), (0,)), ((), ())),
                           preferred_element_type=jnp.float32,
                           precision=lax.Precision.HIGHEST)


def _tc_prescale(h, degp):
    n, d = h.shape
    bn = 1024

    def body(h_ref, d_ref, o_ref):
        deg = _deg_col(d_ref) + 1.0
        o_ref[...] = h_ref[...] * lax.rsqrt(deg)

    return pl.pallas_call(
        body,
        grid=(n // bn,),
        in_specs=[pl.BlockSpec((bn, d), lambda i: (i, 0)),
                  pl.BlockSpec((NW, bn), lambda i: (0, i))],
        out_specs=pl.BlockSpec((bn, d), lambda i: (i, 0)),
        out_shape=jax.ShapeDtypeStruct((n, d), jnp.float32),
    )(h, degp)


def _tc_final(acc0, acc1, h, degp, b):
    n, d = h.shape
    bn = 1024

    def body(a0_ref, a1_ref, h_ref, d_ref, b_ref, o_ref):
        dis = lax.rsqrt(_deg_col(d_ref) + 1.0)
        o_ref[...] = (dis * (a0_ref[...] + a1_ref[...])
                      + (dis * dis) * h_ref[...] + b_ref[...])

    return pl.pallas_call(
        body,
        grid=(n // bn,),
        in_specs=[pl.BlockSpec((bn, d), lambda i: (i, 0)),
                  pl.BlockSpec((bn, d), lambda i: (i, 0)),
                  pl.BlockSpec((bn, d), lambda i: (i, 0)),
                  pl.BlockSpec((NW, bn), lambda i: (0, i)),
                  pl.BlockSpec((1, d), lambda i: (0, 0))],
        out_specs=pl.BlockSpec((bn, d), lambda i: (i, 0)),
        out_shape=jax.ShapeDtypeStruct((n, d), jnp.float32),
    )(acc0, acc1, h, degp, b.reshape(1, d))


def _sc_degree(dst_p, zeros_tab, n_nodes):
    ep = dst_p.shape[0]
    per_w = ep // NW
    per_sub = _ceil_to((n_nodes + 1 + NS - 1) // NS, CHUNK)
    n_pad = per_sub * NS
    mesh = plsc.VectorSubcoreMesh(core_axis_name="c", subcore_axis_name="s")

    cp = pltpu.CompilerParams()
    if "needs_layout_passes" in pltpu.CompilerParams.__dataclass_fields__:
        cp = dataclasses.replace(cp, needs_layout_passes=False)

    @functools.partial(
        pl.kernel, mesh=mesh,
        out_type=jax.ShapeDtypeStruct((NW, n_pad), jnp.float32),
        compiler_params=cp,
        scratch_types=[
            pltpu.VMEM((per_w,), jnp.int32),
            pltpu.VMEM((n_pad,), jnp.float32),
        ])
    def deg_kernel(dst_hbm, zeros_hbm, out_hbm, idx_v, tab_v):
        cid = lax.axis_index("c")
        sid = lax.axis_index("s")
        wid = cid * NS + sid
        pltpu.sync_copy(dst_hbm.at[pl.ds(wid * per_w, per_w)], idx_v)
        pltpu.sync_copy(zeros_hbm, tab_v)
        ones16 = jnp.ones((16,), jnp.float32)

        @pl.loop(0, per_w // 16)
        def _(k):
            idx = idx_v[pl.ds(k * 16, 16)]
            plsc.addupdate_scatter(tab_v, [idx], ones16)

        pltpu.sync_copy(tab_v, out_hbm.at[wid])

    return deg_kernel(dst_p, zeros_tab)


def _sc_aggregate(hs, src_p, dst_p, zeros_agg, n_nodes):
    ep = src_p.shape[0]
    d = hs.shape[1]
    cpw = ep // (NW * CHUNK)
    per_w = cpw * CHUNK
    per_sub = _ceil_to((n_nodes + 1 + NS - 1) // NS, CHUNK)
    acc_rows = per_sub * NS
    mesh = plsc.VectorSubcoreMesh(core_axis_name="c", subcore_axis_name="s")

    half = cpw // 2

    @functools.partial(
        pl.kernel, mesh=mesh,
        out_type=jax.ShapeDtypeStruct((NC, acc_rows, d), jnp.float32),
        scratch_types=[
            pltpu.VMEM((half, CHUNK), jnp.int32),
            pltpu.VMEM((half, CHUNK), jnp.int32),
            pltpu.VMEM((CHUNK, d), jnp.float32),
            pltpu.VMEM((CHUNK, d), jnp.float32),
            pltpu.VMEM_SHARED((acc_rows, d), jnp.float32),
            pltpu.SemaphoreType.DMA,
            pltpu.SemaphoreType.DMA,
        ])
    def agg_kernel(hs_hbm, src_hbm, dst_hbm, zeros_hbm, out_hbm,
                   src_v, dst_v, rows_a, rows_b, acc_sh, sem_a, sem_b):
        cid = lax.axis_index("c")
        sid = lax.axis_index("s")
        wid = cid * NS + sid

        pltpu.sync_copy(zeros_hbm, acc_sh.at[pl.ds(sid * per_sub, per_sub)])

        plsc.subcore_barrier()

        def scatter(c, rows):
            pltpu.sync_copy(rows, acc_sh.at[dst_v.at[c]], add=True)

        for hlf in range(2):
            pltpu.sync_copy(src_hbm.at[pl.ds(wid * cpw + hlf * half, half)],
                            src_v)
            pltpu.sync_copy(dst_hbm.at[pl.ds(wid * cpw + hlf * half, half)],
                            dst_v)

            @pl.loop(0, half // 2)
            def _(i):
                ga = pltpu.async_copy(hs_hbm.at[src_v.at[2 * i]],
                                      rows_a, sem_a)
                gb = pltpu.async_copy(hs_hbm.at[src_v.at[2 * i + 1]],
                                      rows_b, sem_b)
                ga.wait()
                scatter(2 * i, rows_a)
                gb.wait()
                scatter(2 * i + 1, rows_b)

        plsc.subcore_barrier()
        pltpu.sync_copy(acc_sh.at[pl.ds(sid * per_sub, per_sub)],
                        out_hbm.at[cid, pl.ds(sid * per_sub, per_sub)])

    return agg_kernel(hs, src_p.reshape(-1, CHUNK), dst_p.reshape(-1, CHUNK),
                      zeros_agg)


def kernel(x, edge_index, W, b):
    n, _ = x.shape
    e = edge_index.shape[1]
    src = edge_index[0].astype(jnp.int32)
    dst = edge_index[1].astype(jnp.int32)

    ep = _ceil_to(e, NW * CHUNK * 8)
    per_sub = _ceil_to((n + 1 + NS - 1) // NS, CHUNK)
    acc_rows = per_sub * NS
    pad_dst = n + jnp.arange(ep - e, dtype=jnp.int32) % (acc_rows - n)
    src_p = jnp.concatenate([src, jnp.zeros((ep - e,), jnp.int32)])
    dst_p = jnp.concatenate([dst, pad_dst])

    zeros_tab = jnp.zeros((acc_rows,), jnp.float32)
    zeros_agg = jnp.zeros((per_sub, W.shape[0]), jnp.float32)

    x_pad = jnp.concatenate(
        [x, jnp.zeros((acc_rows - n, x.shape[1]), x.dtype)])

    degp = _sc_degree(dst_p, zeros_tab, n)
    h = _tc_matmul(x_pad, W)
    hs = _tc_prescale(h, degp)
    acc_part = _sc_aggregate(hs, src_p, dst_p, zeros_agg, n)
    out = _tc_final(acc_part[0], acc_part[1], h, degp, b)
    return out[:n]

# --- scband reference (transcript-rebuilt; emitter-appended) ---
"""Pipeline reference for scband-gcnencoder-87316685127958 (READ-ONLY COPY).

The authoritative reference and input builder live on the scoring server;
editing this copy changes nothing except your own understanding.
"""

import jax, jax.numpy as jnp
import numpy as np

N_NODES = 10000
N_EDGES = 320000
D_IN = 128
D_OUT = 128


def setup_inputs(seed: int = 0) -> dict:
    key = jax.random.key(seed)
    k1, k2, k3 = jax.random.split(key, 3)
    x = jax.random.normal(k1, (N_NODES, D_IN), dtype=jnp.float32)
    edge_index = jax.random.randint(k2, (2, N_EDGES), 0, N_NODES, dtype=jnp.int64)
    # GCNConv lin weight, initialized per GCNEncoder num_layers==1 path: normal(0, 0.0005)
    W = jax.random.normal(k3, (D_OUT, D_IN), dtype=jnp.float32) * 0.0005
    b = jnp.zeros((D_OUT,), dtype=jnp.float32)
    return {"x": x, "edge_index": edge_index, "W": W, "b": b}


def _gcn_conv(x, edge_index, W, b):
    # Faithful PyG GCNConv: h = x @ W.T; symmetric gcn_norm with self-loops;
    # aggregate messages from src (edge_index[0]) to dst (edge_index[1]); add bias.
    N = x.shape[0]
    loop = jnp.arange(N, dtype=edge_index.dtype)
    src = jnp.concatenate([edge_index[0], loop])
    dst = jnp.concatenate([edge_index[1], loop])
    deg = jnp.zeros((N,), dtype=x.dtype).at[dst].add(1.0)
    deg_inv_sqrt = jnp.where(deg > 0, deg ** -0.5, 0.0)
    norm = deg_inv_sqrt[src] * deg_inv_sqrt[dst]
    h = x @ W.T
    msg = h[src] * norm[:, None]
    out = jnp.zeros((N, h.shape[1]), dtype=x.dtype).at[dst].add(msg)
    return out + b


def reference(x, edge_index, W, b):
    # GCNEncoder with num_layers == 1: single GCNConv, no norm/relu/dropout.
    return _gcn_conv(x, edge_index, W, b)

if __name__ == "__main__":
    import jax
    _d = setup_inputs()
    print(jax.jit(kernel)(*tuple(_d.values())))

</pallas_src>

<mosaic_0001>
#map = affine_map<(d0, d1) -> (0)>
#map1 = affine_map<(d0, d1) -> (0, 0)>
module attributes {stable_mosaic.version = 14 : i64} {
  func.func @deg_kernel(%arg0: i32, %arg1: i32, %arg2: memref<327680xi32, #tpu.memory_space<hbm>>, %arg3: memref<10240xf32, #tpu.memory_space<hbm>>, %arg4: memref<32x10240xf32, #tpu.memory_space<hbm>>, %arg5: memref<10240xi32, #tpu.memory_space<vmem>>, %arg6: memref<10240xf32, #tpu.memory_space<vmem>>) attributes {dimension_semantics = [#tpu.dimension_semantics<core_parallel>, #tpu.dimension_semantics<subcore_parallel>], iteration_bounds = array<i64: 2, 16>, scalar_prefetch = 0 : i64, scratch_operands = 2 : i64, tpu.core_type = #tpu.core_type<sc_vector_subcore>, window_params = [{transform_indices = #map}, {transform_indices = #map}, {transform_indices = #map1}]} {
    %mul3A = arith.constant 16 : i32
    %mul3A_0 = arith.muli %arg0, %mul3A : i32
    %add3A = arith.addi %mul3A_0, %arg1 : i32
    %mul3A_1 = arith.constant 10240 : i32
    %mul3A_2 = arith.muli %add3A, %mul3A_1 : i32
    "tpu.region"() ({
      %run_scoped3A = tpu.sem_alloc : memref<!tpu.dma_semaphore, #tpu.memory_space<semaphore_mem>>
      %dma_start3A = tpu.memref_slice %arg2[%mul3A_2] : memref<327680xi32, #tpu.memory_space<hbm>> -> memref<10240xi32, #tpu.memory_space<hbm>>
      %dma_start3A_8 = tpu.memref_slice %arg2[%mul3A_2] : memref<327680xi32, #tpu.memory_space<hbm>> -> memref<10240xi32, #tpu.memory_space<hbm>>
      tpu.enqueue_dma source(%dma_start3A_8 : memref<10240xi32, #tpu.memory_space<hbm>>) target(%arg5 : memref<10240xi32, #tpu.memory_space<vmem>>) target_semaphore(%run_scoped3A : memref<!tpu.dma_semaphore, #tpu.memory_space<semaphore_mem>>)
      %dma_wait3A = tpu.memref_slice %arg2[%mul3A_2] : memref<327680xi32, #tpu.memory_space<hbm>> -> memref<10240xi32, #tpu.memory_space<hbm>>
      %dma_wait3A_9 = tpu.memref_slice %arg2[%mul3A_2] : memref<327680xi32, #tpu.memory_space<hbm>> -> memref<10240xi32, #tpu.memory_space<hbm>>
      tpu.wait_dma2 semaphore(%run_scoped3A : memref<!tpu.dma_semaphore, #tpu.memory_space<semaphore_mem>>) src(%dma_wait3A_9 : memref<10240xi32, #tpu.memory_space<hbm>>) dst(%arg5 : memref<10240xi32, #tpu.memory_space<vmem>>)
      tpu.yield
    }) : () -> ()
    "tpu.region"() ({
      %run_scoped3A = tpu.sem_alloc : memref<!tpu.dma_semaphore, #tpu.memory_space<semaphore_mem>>
      tpu.enqueue_dma source(%arg3 : memref<10240xf32, #tpu.memory_space<hbm>>) target(%arg6 : memref<10240xf32, #tpu.memory_space<vmem>>) target_semaphore(%run_scoped3A : memref<!tpu.dma_semaphore, #tpu.memory_space<semaphore_mem>>)
      tpu.wait_dma2 semaphore(%run_scoped3A : memref<!tpu.dma_semaphore, #tpu.memory_space<semaphore_mem>>) src(%arg3 : memref<10240xf32, #tpu.memory_space<hbm>>) dst(%arg6 : memref<10240xf32, #tpu.memory_space<vmem>>)
      tpu.yield
    }) : () -> ()
    %broadcast_in_dim3A = arith.constant 1.000000e+00 : f32
    %broadcast_in_dim3A_3 = vector.broadcast %broadcast_in_dim3A : f32 to vector<16xf32>
    %scan3A = arith.constant 0 : i32
    %scan3A_4 = arith.constant 640 : i32
    %scan3A_5 = arith.addi %scan3A, %scan3A_4 : i32
    %scan3A_6 = arith.constant 1 : i32
    scf.for %scan3A_8 = %scan3A to %scan3A_5 step %scan3A_6  : i32 {
      %mul3A_9 = arith.constant 1 : i32
      %mul3A_10 = arith.muli %scan3A_8, %mul3A_9 : i32
      %add3A_11 = arith.constant 0 : i32
      %add3A_12 = arith.addi %add3A_11, %mul3A_10 : i32
      %mul3A_13 = arith.constant 16 : i32
      %mul3A_14 = arith.muli %add3A_12, %mul3A_13 : i32
      %get3A = arith.index_cast %mul3A_14 : i32 to index
      %get3A_15 = tpu.vector_load %arg5[%get3A] {strides = array<i32>} : memref<10240xi32, #tpu.memory_space<vmem>>, vector<16xi32>,
      tpu.vector_store_idx %arg6[%get3A_15], %broadcast_in_dim3A_3 {add = true} : memref<10240xf32, #tpu.memory_space<vmem>>[vector<16xi32>], vector<16xf32>,
    }
    %scan3A_7 = arith.constant 640 : i32
    "tpu.region"() ({
      %run_scoped3A = tpu.sem_alloc : memref<!tpu.dma_semaphore, #tpu.memory_space<semaphore_mem>>
      %dma_start3A = arith.constant 0 : i32
      %dma_start3A_8 = tpu.memref_slice %arg4[%add3A, %dma_start3A] : memref<32x10240xf32, #tpu.memory_space<hbm>> -> memref<1x10240xf32, #tpu.memory_space<hbm>>
      %dma_start3A_9 = tpu.memref_squeeze %dma_start3A_8 : memref<1x10240xf32, #tpu.memory_space<hbm>> -> memref<10240xf32, #tpu.memory_space<hbm>>
      %dma_start3A_10 = arith.constant 0 : i32
      %dma_start3A_11 = tpu.memref_slice %arg4[%add3A, %dma_start3A_10] : memref<32x10240xf32, #tpu.memory_space<hbm>> -> memref<1x10240xf32, #tpu.memory_space<hbm>>
      %dma_start3A_12 = tpu.memref_squeeze %dma_start3A_11 : memref<1x10240xf32, #tpu.memory_space<hbm>> -> memref<10240xf32, #tpu.memory_space<hbm>>
      tpu.enqueue_dma source(%arg6 : memref<10240xf32, #tpu.memory_space<vmem>>) target(%dma_start3A_12 : memref<10240xf32, #tpu.memory_space<hbm>>) target_semaphore(%run_scoped3A : memref<!tpu.dma_semaphore, #tpu.memory_space<semaphore_mem>>)
      %dma_wait3A = arith.constant 0 : i32
      %dma_wait3A_13 = tpu.memref_slice %arg4[%add3A, %dma_wait3A] : memref<32x10240xf32, #tpu.memory_space<hbm>> -> memref<1x10240xf32, #tpu.memory_space<hbm>>
      %dma_wait3A_14 = tpu.memref_squeeze %dma_wait3A_13 : memref<1x10240xf32, #tpu.memory_space<hbm>> -> memref<10240xf32, #tpu.memory_space<hbm>>
      %dma_wait3A_15 = arith.constant 0 : i32
      %dma_wait3A_16 = tpu.memref_slice %arg4[%add3A, %dma_wait3A_15] : memref<32x10240xf32, #tpu.memory_space<hbm>> -> memref<1x10240xf32, #tpu.memory_space<hbm>>
      %dma_wait3A_17 = tpu.memref_squeeze %dma_wait3A_16 : memref<1x10240xf32, #tpu.memory_space<hbm>> -> memref<10240xf32, #tpu.memory_space<hbm>>
      tpu.wait_dma2 semaphore(%run_scoped3A : memref<!tpu.dma_semaphore, #tpu.memory_space<semaphore_mem>>) src(%arg6 : memref<10240xf32, #tpu.memory_space<vmem>>) dst(%dma_wait3A_17 : memref<10240xf32, #tpu.memory_space<hbm>>)
      tpu.yield
    }) : () -> ()
    return
  }
}

#map = affine_map<(d0, d1) -> (0, 0)>
#map1 = affine_map<(d0, d1) -> (0, 0, 0)>
module attributes {stable_mosaic.version = 14 : i64} {
  func.func @agg_kernel(%arg0: i32, %arg1: i32, %arg2: memref<10240x128xf32, #tpu.memory_space<hbm>>, %arg3: memref<2560x128xi32, #tpu.memory_space<hbm>>, %arg4: memref<2560x128xi32, #tpu.memory_space<hbm>>, %arg5: memref<640x128xf32, #tpu.memory_space<hbm>>, %arg6: memref<2x10240x128xf32, #tpu.memory_space<hbm>>, %arg7: memref<40x128xi32, #tpu.memory_space<vmem>>, %arg8: memref<40x128xi32, #tpu.memory_space<vmem>>, %arg9: memref<128x128xf32, #tpu.memory_space<vmem>>, %arg10: memref<128x128xf32, #tpu.memory_space<vmem>>, %arg11: memref<10240x128xf32, #tpu.memory_space<vmem_shared>>, %arg12: memref<!tpu.dma_semaphore, #tpu.memory_space<semaphore_mem>>, %arg13: memref<!tpu.dma_semaphore, #tpu.memory_space<semaphore_mem>>) attributes {dimension_semantics = [#tpu.dimension_semantics<core_parallel>, #tpu.dimension_semantics<subcore_parallel>], iteration_bounds = array<i64: 2, 16>, scalar_prefetch = 0 : i64, scratch_operands = 7 : i64, tpu.core_type = #tpu.core_type<sc_vector_subcore>, window_params = [{transform_indices = #map}, {transform_indices = #map}, {transform_indices = #map}, {transform_indices = #map}, {transform_indices = #map1}]} {
    %mul3A = arith.constant 16 : i32
    %mul3A_0 = arith.muli %arg0, %mul3A : i32
    %add3A = arith.addi %mul3A_0, %arg1 : i32
    %mul3A_1 = arith.constant 640 : i32
    %mul3A_2 = arith.muli %arg1, %mul3A_1 : i32
    "tpu.region"() ({
      %run_scoped3A = tpu.sem_alloc : memref<!tpu.dma_semaphore, #tpu.memory_space<semaphore_mem>>
      %dma_start3A = arith.constant 0 : i32
      %dma_start3A_33 = tpu.memref_slice %arg11[%mul3A_2, %dma_start3A] : memref<10240x128xf32, #tpu.memory_space<vmem_shared>> -> memref<640x128xf32, #tpu.memory_space<vmem_shared>>
      tpu.enqueue_dma source(%arg5 : memref<640x128xf32, #tpu.memory_space<hbm>>) target(%dma_start3A_33 : memref<640x128xf32, #tpu.memory_space<vmem_shared>>) target_semaphore(%run_scoped3A : memref<!tpu.dma_semaphore, #tpu.memory_space<semaphore_mem>>)
      %dma_wait3A = arith.constant 0 : i32
      %dma_wait3A_34 = tpu.memref_slice %arg11[%mul3A_2, %dma_wait3A] : memref<10240x128xf32, #tpu.memory_space<vmem_shared>> -> memref<640x128xf32, #tpu.memory_space<vmem_shared>>
      tpu.wait_dma2 semaphore(%run_scoped3A : memref<!tpu.dma_semaphore, #tpu.memory_space<semaphore_mem>>) src(%arg5 : memref<640x128xf32, #tpu.memory_space<hbm>>) dst(%dma_wait3A_34 : memref<640x128xf32, #tpu.memory_space<vmem_shared>>)
      tpu.yield
    }) : () -> ()
    %barrier3A = arith.constant 0 : index
    tpu.barrier barrier_id(%barrier3A)
    %mul3A_3 = arith.constant 80 : i32
    %mul3A_4 = arith.muli %add3A, %mul3A_3 : i32
    %add3A_5 = arith.constant 0 : i32
    %add3A_6 = arith.addi %mul3A_4, %add3A_5 : i32
    "tpu.region"() ({
      %run_scoped3A = tpu.sem_alloc : memref<!tpu.dma_semaphore, #tpu.memory_space<semaphore_mem>>
      %dma_start3A = arith.constant 0 : i32
      %dma_start3A_33 = tpu.memref_slice %arg3[%add3A_6, %dma_start3A] : memref<2560x128xi32, #tpu.memory_space<hbm>> -> memref<40x128xi32, #tpu.memory_space<hbm>>
      %dma_start3A_34 = arith.constant 0 : i32
      %dma_start3A_35 = tpu.memref_slice %arg3[%add3A_6, %dma_start3A_34] : memref<2560x128xi32, #tpu.memory_space<hbm>> -> memref<40x128xi32, #tpu.memory_space<hbm>>
      tpu.enqueue_dma source(%dma_start3A_35 : memref<40x128xi32, #tpu.memory_space<hbm>>) target(%arg7 : memref<40x128xi32, #tpu.memory_space<vmem>>) target_semaphore(%run_scoped3A : memref<!tpu.dma_semaphore, #tpu.memory_space<semaphore_mem>>)
      %dma_wait3A = arith.constant 0 : i32
      %dma_wait3A_36 = tpu.memref_slice %arg3[%add3A_6, %dma_wait3A] : memref<2560x128xi32, #tpu.memory_space<hbm>> -> memref<40x128xi32, #tpu.memory_space<hbm>>
      %dma_wait3A_37 = arith.constant 0 : i32
      %dma_wait3A_38 = tpu.memref_slice %arg3[%add3A_6, %dma_wait3A_37] : memref<2560x128xi32, #tpu.memory_space<hbm>> -> memref<40x128xi32, #tpu.memory_space<hbm>>
      tpu.wait_dma2 semaphore(%run_scoped3A : memref<!tpu.dma_semaphore, #tpu.memory_space<semaphore_mem>>) src(%dma_wait3A_38 : memref<40x128xi32, #tpu.memory_space<hbm>>) dst(%arg7 : memref<40x128xi32, #tpu.memory_space<vmem>>)
      tpu.yield
    }) : () -> ()
    %mul3A_7 = arith.constant 80 : i32
    %mul3A_8 = arith.muli %add3A, %mul3A_7 : i32
    %add3A_9 = arith.constant 0 : i32
    %add3A_10 = arith.addi %mul3A_8, %add3A_9 : i32
    "tpu.region"() ({
      %run_scoped3A = tpu.sem_alloc : memref<!tpu.dma_semaphore, #tpu.memory_space<semaphore_mem>>
      %dma_start3A = arith.constant 0 : i32
      %dma_start3A_33 = tpu.memref_slice %arg4[%add3A_10, %dma_start3A] : memref<2560x128xi32, #tpu.memory_space<hbm>> -> memref<40x128xi32, #tpu.memory_space<hbm>>
      %dma_start3A_34 = arith.constant 0 : i32
      %dma_start3A_35 = tpu.memref_slice %arg4[%add3A_10, %dma_start3A_34] : memref<2560x128xi32, #tpu.memory_space<hbm>> -> memref<40x128xi32, #tpu.memory_space<hbm>>
      tpu.enqueue_dma source(%dma_start3A_35 : memref<40x128xi32, #tpu.memory_space<hbm>>) target(%arg8 : memref<40x128xi32, #tpu.memory_space<vmem>>) target_semaphore(%run_scoped3A : memref<!tpu.dma_semaphore, #tpu.memory_space<semaphore_mem>>)
      %dma_wait3A = arith.constant 0 : i32
      %dma_wait3A_36 = tpu.memref_slice %arg4[%add3A_10, %dma_wait3A] : memref<2560x128xi32, #tpu.memory_space<hbm>> -> memref<40x128xi32, #tpu.memory_space<hbm>>
      %dma_wait3A_37 = arith.constant 0 : i32
      %dma_wait3A_38 = tpu.memref_slice %arg4[%add3A_10, %dma_wait3A_37] : memref<2560x128xi32, #tpu.memory_space<hbm>> -> memref<40x128xi32, #tpu.memory_space<hbm>>
      tpu.wait_dma2 semaphore(%run_scoped3A : memref<!tpu.dma_semaphore, #tpu.memory_space<semaphore_mem>>) src(%dma_wait3A_38 : memref<40x128xi32, #tpu.memory_space<hbm>>) dst(%arg8 : memref<40x128xi32, #tpu.memory_space<vmem>>)
      tpu.yield
    }) : () -> ()
    %scan3A = arith.constant 0 : i32
    %scan3A_11 = arith.constant 20 : i32
    %scan3A_12 = arith.addi %scan3A, %scan3A_11 : i32
    %scan3A_13 = arith.constant 1 : i32
    scf.for %scan3A_33 = %scan3A to %scan3A_12 step %scan3A_13  : i32 {
      %mul3A_34 = arith.constant 1 : i32
      %mul3A_35 = arith.muli %scan3A_33, %mul3A_34 : i32
      %add3A_36 = arith.constant 0 : i32
      %add3A_37 = arith.addi %add3A_36, %mul3A_35 : i32
      %mul3A_38 = arith.constant 2 : i32
      %mul3A_39 = arith.muli %mul3A_38, %add3A_37 : i32
      %dma_start3A = arith.constant 0 : i32
      %dma_start3A_40 = tpu.memref_slice %arg7[%mul3A_39, %dma_start3A] : memref<40x128xi32, #tpu.memory_space<vmem>> -> memref<1x128xi32, #tpu.memory_space<vmem>>
      %dma_start3A_41 = tpu.memref_squeeze %dma_start3A_40 : memref<1x128xi32, #tpu.memory_space<vmem>> -> memref<128xi32, #tpu.memory_space<vmem>>
      %dma_start3A_42 = arith.constant 0 : i32
      %dma_start3A_43 = arith.constant 0 : i32
      %dma_start3A_44 = tpu.memref_slice %arg2[%dma_start3A_42, %dma_start3A_43] : memref<10240x128xf32, #tpu.memory_space<hbm>> -> memref<10240x128xf32, #tpu.memory_space<hbm>>
      tpu.enqueue_indirect_dma source(%dma_start3A_44 : memref<10240x128xf32, #tpu.memory_space<hbm>>) target(%arg9 : memref<128x128xf32, #tpu.memory_space<vmem>>) offsets(%dma_start3A_41 : memref<128xi32, #tpu.memory_space<vmem>>) semaphore(%arg12 : memref<!tpu.dma_semaphore, #tpu.memory_space<semaphore_mem>>)
      %mul3A_45 = arith.constant 2 : i32
      %mul3A_46 = arith.muli %mul3A_45, %add3A_37 : i32
      %add3A_47 = arith.constant 1 : i32
      %add3A_48 = arith.addi %mul3A_46, %add3A_47 : i32
      %dma_start3A_49 = arith.constant 0 : i32
      %dma_start3A_50 = tpu.memref_slice %arg7[%add3A_48, %dma_start3A_49] : memref<40x128xi32, #tpu.memory_space<vmem>> -> memref<1x128xi32, #tpu.memory_space<vmem>>
      %dma_start3A_51 = tpu.memref_squeeze %dma_start3A_50 : memref<1x128xi32, #tpu.memory_space<vmem>> -> memref<128xi32, #tpu.memory_space<vmem>>
      %dma_start3A_52 = arith.constant 0 : i32
      %dma_start3A_53 = arith.constant 0 : i32
      %dma_start3A_54 = tpu.memref_slice %arg2[%dma_start3A_52, %dma_start3A_53] : memref<10240x128xf32, #tpu.memory_space<hbm>> -> memref<10240x128xf32, #tpu.memory_space<hbm>>
      tpu.enqueue_indirect_dma source(%dma_start3A_54 : memref<10240x128xf32, #tpu.memory_space<hbm>>) target(%arg10 : memref<128x128xf32, #tpu.memory_space<vmem>>) offsets(%dma_start3A_51 : memref<128xi32, #tpu.memory_space<vmem>>) semaphore(%arg13 : memref<!tpu.dma_semaphore, #tpu.memory_space<semaphore_mem>>)
      %dma_wait3A = arith.constant 0 : i32
      %dma_wait3A_55 = tpu.memref_slice %arg7[%mul3A_39, %dma_wait3A] : memref<40x128xi32, #tpu.memory_space<vmem>> -> memref<1x128xi32, #tpu.memory_space<vmem>>
      %dma_wait3A_56 = tpu.memref_squeeze %dma_wait3A_55 : memref<1x128xi32, #tpu.memory_space<vmem>> -> memref<128xi32, #tpu.memory_space<vmem>>
      %dma_wait3A_57 = arith.constant 0 : i32
      %dma_wait3A_58 = arith.constant 0 : i32
      %dma_wait3A_59 = tpu.memref_slice %arg2[%dma_wait3A_57, %dma_wait3A_58] : memref<10240x128xf32, #tpu.memory_space<hbm>> -> memref<10240x128xf32, #tpu.memory_space<hbm>>
      tpu.wait_indirect_dma semaphore(%arg12 : memref<!tpu.dma_semaphore, #tpu.memory_space<semaphore_mem>>) src(%dma_wait3A_59 : memref<10240x128xf32, #tpu.memory_space<hbm>>) dst(%arg9 : memref<128x128xf32, #tpu.memory_space<vmem>>)
      %mul3A_60 = arith.constant 2 : i32
      %mul3A_61 = arith.muli %mul3A_60, %add3A_37 : i32
      "tpu.region"() ({
        %run_scoped3A = tpu.sem_alloc : memref<!tpu.dma_semaphore, #tpu.memory_space<semaphore_mem>>
        %dma_start3A_72 = arith.constant 0 : i32
        %dma_start3A_73 = tpu.memref_slice %arg8[%mul3A_61, %dma_start3A_72] : memref<40x128xi32, #tpu.memory_space<vmem>> -> memref<1x128xi32, #tpu.memory_space<vmem>>
        %dma_start3A_74 = tpu.memref_squeeze %dma_start3A_73 : memref<1x128xi32, #tpu.memory_space<vmem>> -> memref<128xi32, #tpu.memory_space<vmem>>
        %dma_start3A_75 = arith.constant 0 : i32
        %dma_start3A_76 = arith.constant 0 : i32
        %dma_start3A_77 = tpu.memref_slice %arg11[%dma_start3A_75, %dma_start3A_76] : memref<10240x128xf32, #tpu.memory_space<vmem_shared>> -> memref<10240x128xf32, #tpu.memory_space<vmem_shared>>
        tpu.enqueue_indirect_dma source(%arg9 : memref<128x128xf32, #tpu.memory_space<vmem>>) target(%dma_start3A_77 : memref<10240x128xf32, #tpu.memory_space<vmem_shared>>) offsets(%dma_start3A_74 : memref<128xi32, #tpu.memory_space<vmem>>) semaphore(%run_scoped3A : memref<!tpu.dma_semaphore, #tpu.memory_space<semaphore_mem>>) {add = true}
        %dma_wait3A_78 = arith.constant 0 : i32
        %dma_wait3A_79 = tpu.memref_slice %arg8[%mul3A_61, %dma_wait3A_78] : memref<40x128xi32, #tpu.memory_space<vmem>> -> memref<1x128xi32, #tpu.memory_space<vmem>>
        %dma_wait3A_80 = tpu.memref_squeeze %dma_wait3A_79 : memref<1x128xi32, #tpu.memory_space<vmem>> -> memref<128xi32, #tpu.memory_space<vmem>>
        %dma_wait3A_81 = arith.constant 0 : i32
        %dma_wait3A_82 = arith.constant 0 : i32
        %dma_wait3A_83 = tpu.memref_slice %arg11[%dma_wait3A_81, %dma_wait3A_82] : memref<10240x128xf32, #tpu.memory_space<vmem_shared>> -> memref<10240x128xf32, #tpu.memory_space<vmem_shared>>
        tpu.wait_indirect_dma semaphore(%run_scoped3A : memref<!tpu.dma_semaphore, #tpu.memory_space<semaphore_mem>>) src(%arg9 : memref<128x128xf32, #tpu.memory_space<vmem>>) dst(%dma_wait3A_83 : memref<10240x128xf32, #tpu.memory_space<vmem_shared>>)
        tpu.yield
      }) : () -> ()
      %dma_wait3A_62 = arith.constant 0 : i32
      %dma_wait3A_63 = tpu.memref_slice %arg7[%add3A_48, %dma_wait3A_62] : memref<40x128xi32, #tpu.memory_space<vmem>> -> memref<1x128xi32, #tpu.memory_space<vmem>>
      %dma_wait3A_64 = tpu.memref_squeeze %dma_wait3A_63 : memref<1x128xi32, #tpu.memory_space<vmem>> -> memref<128xi32, #tpu.memory_space<vmem>>
      %dma_wait3A_65 = arith.constant 0 : i32
      %dma_wait3A_66 = arith.constant 0 : i32
      %dma_wait3A_67 = tpu.memref_slice %arg2[%dma_wait3A_65, %dma_wait3A_66] : memref<10240x128xf32, #tpu.memory_space<hbm>> -> memref<10240x128xf32, #tpu.memory_space<hbm>>
      tpu.wait_indirect_dma semaphore(%arg13 : memref<!tpu.dma_semaphore, #tpu.memory_space<semaphore_mem>>) src(%dma_wait3A_67 : memref<10240x128xf32, #tpu.memory_space<hbm>>) dst(%arg10 : memref<128x128xf32, #tpu.memory_space<vmem>>)
      %mul3A_68 = arith.constant 2 : i32
      %mul3A_69 = arith.muli %mul3A_68, %add3A_37 : i32
      %add3A_70 = arith.constant 1 : i32
      %add3A_71 = arith.addi %mul3A_69, %add3A_70 : i32
      "tpu.region"() ({
        %run_scoped3A = tpu.sem_alloc : memref<!tpu.dma_semaphore, #tpu.memory_space<semaphore_mem>>
        %dma_start3A_72 = arith.constant 0 : i32
        %dma_start3A_73 = tpu.memref_slice %arg8[%add3A_71, %dma_start3A_72] : memref<40x128xi32, #tpu.memory_space<vmem>> -> memref<1x128xi32, #tpu.memory_space<vmem>>
        %dma_start3A_74 = tpu.memref_squeeze %dma_start3A_73 : memref<1x128xi32, #tpu.memory_space<vmem>> -> memref<128xi32, #tpu.memory_space<vmem>>
        %dma_start3A_75 = arith.constant 0 : i32
        %dma_start3A_76 = arith.constant 0 : i32
        %dma_start3A_77 = tpu.memref_slice %arg11[%dma_start3A_75, %dma_start3A_76] : memref<10240x128xf32, #tpu.memory_space<vmem_shared>> -> memref<10240x128xf32, #tpu.memory_space<vmem_shared>>
        tpu.enqueue_indirect_dma source(%arg10 : memref<128x128xf32, #tpu.memory_space<vmem>>) target(%dma_start3A_77 : memref<10240x128xf32, #tpu.memory_space<vmem_shared>>) offsets(%dma_start3A_74 : memref<128xi32, #tpu.memory_space<vmem>>) semaphore(%run_scoped3A : memref<!tpu.dma_semaphore, #tpu.memory_space<semaphore_mem>>) {add = true}
        %dma_wait3A_78 = arith.constant 0 : i32
        %dma_wait3A_79 = tpu.memref_slice %arg8[%add3A_71, %dma_wait3A_78] : memref<40x128xi32, #tpu.memory_space<vmem>> -> memref<1x128xi32, #tpu.memory_space<vmem>>
        %dma_wait3A_80 = tpu.memref_squeeze %dma_wait3A_79 : memref<1x128xi32, #tpu.memory_space<vmem>> -> memref<128xi32, #tpu.memory_space<vmem>>
        %dma_wait3A_81 = arith.constant 0 : i32
        %dma_wait3A_82 = arith.constant 0 : i32
        %dma_wait3A_83 = tpu.memref_slice %arg11[%dma_wait3A_81, %dma_wait3A_82] : memref<10240x128xf32, #tpu.memory_space<vmem_shared>> -> memref<10240x128xf32, #tpu.memory_space<vmem_shared>>
        tpu.wait_indirect_dma semaphore(%run_scoped3A : memref<!tpu.dma_semaphore, #tpu.memory_space<semaphore_mem>>) src(%arg10 : memref<128x128xf32, #tpu.memory_space<vmem>>) dst(%dma_wait3A_83 : memref<10240x128xf32, #tpu.memory_space<vmem_shared>>)
        tpu.yield
      }) : () -> ()
    }
    %scan3A_14 = arith.constant 20 : i32
    %mul3A_15 = arith.constant 80 : i32
    %mul3A_16 = arith.muli %add3A, %mul3A_15 : i32
    %add3A_17 = arith.constant 40 : i32
    %add3A_18 = arith.addi %mul3A_16, %add3A_17 : i32
    "tpu.region"() ({
      %run_scoped3A = tpu.sem_alloc : memref<!tpu.dma_semaphore, #tpu.memory_space<semaphore_mem>>
      %dma_start3A = arith.constant 0 : i32
      %dma_start3A_33 = tpu.memref_slice %arg3[%add3A_18, %dma_start3A] : memref<2560x128xi32, #tpu.memory_space<hbm>> -> memref<40x128xi32, #tpu.memory_space<hbm>>
      %dma_start3A_34 = arith.constant 0 : i32
      %dma_start3A_35 = tpu.memref_slice %arg3[%add3A_18, %dma_start3A_34] : memref<2560x128xi32, #tpu.memory_space<hbm>> -> memref<40x128xi32, #tpu.memory_space<hbm>>
      tpu.enqueue_dma source(%dma_start3A_35 : memref<40x128xi32, #tpu.memory_space<hbm>>) target(%arg7 : memref<40x128xi32, #tpu.memory_space<vmem>>) target_semaphore(%run_scoped3A : memref<!tpu.dma_semaphore, #tpu.memory_space<semaphore_mem>>)
      %dma_wait3A = arith.constant 0 : i32
      %dma_wait3A_36 = tpu.memref_slice %arg3[%add3A_18, %dma_wait3A] : memref<2560x128xi32, #tpu.memory_space<hbm>> -> memref<40x128xi32, #tpu.memory_space<hbm>>
      %dma_wait3A_37 = arith.constant 0 : i32
      %dma_wait3A_38 = tpu.memref_slice %arg3[%add3A_18, %dma_wait3A_37] : memref<2560x128xi32, #tpu.memory_space<hbm>> -> memref<40x128xi32, #tpu.memory_space<hbm>>
      tpu.wait_dma2 semaphore(%run_scoped3A : memref<!tpu.dma_semaphore, #tpu.memory_space<semaphore_mem>>) src(%dma_wait3A_38 : memref<40x128xi32, #tpu.memory_space<hbm>>) dst(%arg7 : memref<40x128xi32, #tpu.memory_space<vmem>>)
      tpu.yield
    }) : () -> ()
    %mul3A_19 = arith.constant 80 : i32
    %mul3A_20 = arith.muli %add3A, %mul3A_19 : i32
    %add3A_21 = arith.constant 40 : i32
    %add3A_22 = arith.addi %mul3A_20, %add3A_21 : i32
    "tpu.region"() ({
      %run_scoped3A = tpu.sem_alloc : memref<!tpu.dma_semaphore, #tpu.memory_space<semaphore_mem>>
      %dma_start3A = arith.constant 0 : i32
      %dma_start3A_33 = tpu.memref_slice %arg4[%add3A_22, %dma_start3A] : memref<2560x128xi32, #tpu.memory_space<hbm>> -> memref<40x128xi32, #tpu.memory_space<hbm>>
      %dma_start3A_34 = arith.constant 0 : i32
      %dma_start3A_35 = tpu.memref_slice %arg4[%add3A_22, %dma_start3A_34] : memref<2560x128xi32, #tpu.memory_space<hbm>> -> memref<40x128xi32, #tpu.memory_space<hbm>>
      tpu.enqueue_dma source(%dma_start3A_35 : memref<40x128xi32, #tpu.memory_space<hbm>>) target(%arg8 : memref<40x128xi32, #tpu.memory_space<vmem>>) target_semaphore(%run_scoped3A : memref<!tpu.dma_semaphore, #tpu.memory_space<semaphore_mem>>)
      %dma_wait3A = arith.constant 0 : i32
      %dma_wait3A_36 = tpu.memref_slice %arg4[%add3A_22, %dma_wait3A] : memref<2560x128xi32, #tpu.memory_space<hbm>> -> memref<40x128xi32, #tpu.memory_space<hbm>>
      %dma_wait3A_37 = arith.constant 0 : i32
      %dma_wait3A_38 = tpu.memref_slice %arg4[%add3A_22, %dma_wait3A_37] : memref<2560x128xi32, #tpu.memory_space<hbm>> -> memref<40x128xi32, #tpu.memory_space<hbm>>
      tpu.wait_dma2 semaphore(%run_scoped3A : memref<!tpu.dma_semaphore, #tpu.memory_space<semaphore_mem>>) src(%dma_wait3A_38 : memref<40x128xi32, #tpu.memory_space<hbm>>) dst(%arg8 : memref<40x128xi32, #tpu.memory_space<vmem>>)
      tpu.yield
    }) : () -> ()
    %scan3A_23 = arith.constant 0 : i32
    %scan3A_24 = arith.constant 20 : i32
    %scan3A_25 = arith.addi %scan3A_23, %scan3A_24 : i32
    %scan3A_26 = arith.constant 1 : i32
    scf.for %scan3A_33 = %scan3A_23 to %scan3A_25 step %scan3A_26  : i32 {
      %mul3A_34 = arith.constant 1 : i32
      %mul3A_35 = arith.muli %scan3A_33, %mul3A_34 : i32
      %add3A_36 = arith.constant 0 : i32
      %add3A_37 = arith.addi %add3A_36, %mul3A_35 : i32
      %mul3A_38 = arith.constant 2 : i32
      %mul3A_39 = arith.muli %mul3A_38, %add3A_37 : i32
      %dma_start3A = arith.constant 0 : i32
      %dma_start3A_40 = tpu.memref_slice %arg7[%mul3A_39, %dma_start3A] : memref<40x128xi32, #tpu.memory_space<vmem>> -> memref<1x128xi32, #tpu.memory_space<vmem>>
      %dma_start3A_41 = tpu.memref_squeeze %dma_start3A_40 : memref<1x128xi32, #tpu.memory_space<vmem>> -> memref<128xi32, #tpu.memory_space<vmem>>
      %dma_start3A_42 = arith.constant 0 : i32
      %dma_start3A_43 = arith.constant 0 : i32
      %dma_start3A_44 = tpu.memref_slice %arg2[%dma_start3A_42, %dma_start3A_43] : memref<10240x128xf32, #tpu.memory_space<hbm>> -> memref<10240x128xf32, #tpu.memory_space<hbm>>
      tpu.enqueue_indirect_dma source(%dma_start3A_44 : memref<10240x128xf32, #tpu.memory_space<hbm>>) target(%arg9 : memref<128x128xf32, #tpu.memory_space<vmem>>) offsets(%dma_start3A_41 : memref<128xi32, #tpu.memory_space<vmem>>) semaphore(%arg12 : memref<!tpu.dma_semaphore, #tpu.memory_space<semaphore_mem>>)
      %mul3A_45 = arith.constant 2 : i32
      %mul3A_46 = arith.muli %mul3A_45, %add3A_37 : i32
      %add3A_47 = arith.constant 1 : i32
      %add3A_48 = arith.addi %mul3A_46, %add3A_47 : i32
      %dma_start3A_49 = arith.constant 0 : i32
      %dma_start3A_50 = tpu.memref_slice %arg7[%add3A_48, %dma_start3A_49] : memref<40x128xi32, #tpu.memory_space<vmem>> -> memref<1x128xi32, #tpu.memory_space<vmem>>
      %dma_start3A_51 = tpu.memref_squeeze %dma_start3A_50 : memref<1x128xi32, #tpu.memory_space<vmem>> -> memref<128xi32, #tpu.memory_space<vmem>>
      %dma_start3A_52 = arith.constant 0 : i32
      %dma_start3A_53 = arith.constant 0 : i32
      %dma_start3A_54 = tpu.memref_slice %arg2[%dma_start3A_52, %dma_start3A_53] : memref<10240x128xf32, #tpu.memory_space<hbm>> -> memref<10240x128xf32, #tpu.memory_space<hbm>>
      tpu.enqueue_indirect_dma source(%dma_start3A_54 : memref<10240x128xf32, #tpu.memory_space<hbm>>) target(%arg10 : memref<128x128xf32, #tpu.memory_space<vmem>>) offsets(%dma_start3A_51 : memref<128xi32, #tpu.memory_space<vmem>>) semaphore(%arg13 : memref<!tpu.dma_semaphore, #tpu.memory_space<semaphore_mem>>)
      %dma_wait3A = arith.constant 0 : i32
      %dma_wait3A_55 = tpu.memref_slice %arg7[%mul3A_39, %dma_wait3A] : memref<40x128xi32, #tpu.memory_space<vmem>> -> memref<1x128xi32, #tpu.memory_space<vmem>>
      %dma_wait3A_56 = tpu.memref_squeeze %dma_wait3A_55 : memref<1x128xi32, #tpu.memory_space<vmem>> -> memref<128xi32, #tpu.memory_space<vmem>>
      %dma_wait3A_57 = arith.constant 0 : i32
      %dma_wait3A_58 = arith.constant 0 : i32
      %dma_wait3A_59 = tpu.memref_slice %arg2[%dma_wait3A_57, %dma_wait3A_58] : memref<10240x128xf32, #tpu.memory_space<hbm>> -> memref<10240x128xf32, #tpu.memory_space<hbm>>
      tpu.wait_indirect_dma semaphore(%arg12 : memref<!tpu.dma_semaphore, #tpu.memory_space<semaphore_mem>>) src(%dma_wait3A_59 : memref<10240x128xf32, #tpu.memory_space<hbm>>) dst(%arg9 : memref<128x128xf32, #tpu.memory_space<vmem>>)
      %mul3A_60 = arith.constant 2 : i32
      %mul3A_61 = arith.muli %mul3A_60, %add3A_37 : i32
      "tpu.region"() ({
        %run_scoped3A = tpu.sem_alloc : memref<!tpu.dma_semaphore, #tpu.memory_space<semaphore_mem>>
        %dma_start3A_72 = arith.constant 0 : i32
        %dma_start3A_73 = tpu.memref_slice %arg8[%mul3A_61, %dma_start3A_72] : memref<40x128xi32, #tpu.memory_space<vmem>> -> memref<1x128xi32, #tpu.memory_space<vmem>>
        %dma_start3A_74 = tpu.memref_squeeze %dma_start3A_73 : memref<1x128xi32, #tpu.memory_space<vmem>> -> memref<128xi32, #tpu.memory_space<vmem>>
        %dma_start3A_75 = arith.constant 0 : i32
        %dma_start3A_76 = arith.constant 0 : i32
        %dma_start3A_77 = tpu.memref_slice %arg11[%dma_start3A_75, %dma_start3A_76] : memref<10240x128xf32, #tpu.memory_space<vmem_shared>> -> memref<10240x128xf32, #tpu.memory_space<vmem_shared>>
        tpu.enqueue_indirect_dma source(%arg9 : memref<128x128xf32, #tpu.memory_space<vmem>>) target(%dma_start3A_77 : memref<10240x128xf32, #tpu.memory_space<vmem_shared>>) offsets(%dma_start3A_74 : memref<128xi32, #tpu.memory_space<vmem>>) semaphore(%run_scoped3A : memref<!tpu.dma_semaphore, #tpu.memory_space<semaphore_mem>>) {add = true}
        %dma_wait3A_78 = arith.constant 0 : i32
        %dma_wait3A_79 = tpu.memref_slice %arg8[%mul3A_61, %dma_wait3A_78] : memref<40x128xi32, #tpu.memory_space<vmem>> -> memref<1x128xi32, #tpu.memory_space<vmem>>
        %dma_wait3A_80 = tpu.memref_squeeze %dma_wait3A_79 : memref<1x128xi32, #tpu.memory_space<vmem>> -> memref<128xi32, #tpu.memory_space<vmem>>
        %dma_wait3A_81 = arith.constant 0 : i32
        %dma_wait3A_82 = arith.constant 0 : i32
        %dma_wait3A_83 = tpu.memref_slice %arg11[%dma_wait3A_81, %dma_wait3A_82] : memref<10240x128xf32, #tpu.memory_space<vmem_shared>> -> memref<10240x128xf32, #tpu.memory_space<vmem_shared>>
        tpu.wait_indirect_dma semaphore(%run_scoped3A : memref<!tpu.dma_semaphore, #tpu.memory_space<semaphore_mem>>) src(%arg9 : memref<128x128xf32, #tpu.memory_space<vmem>>) dst(%dma_wait3A_83 : memref<10240x128xf32, #tpu.memory_space<vmem_shared>>)
        tpu.yield
      }) : () -> ()
      %dma_wait3A_62 = arith.constant 0 : i32
      %dma_wait3A_63 = tpu.memref_slice %arg7[%add3A_48, %dma_wait3A_62] : memref<40x128xi32, #tpu.memory_space<vmem>> -> memref<1x128xi32, #tpu.memory_space<vmem>>
      %dma_wait3A_64 = tpu.memref_squeeze %dma_wait3A_63 : memref<1x128xi32, #tpu.memory_space<vmem>> -> memref<128xi32, #tpu.memory_space<vmem>>
      %dma_wait3A_65 = arith.constant 0 : i32
      %dma_wait3A_66 = arith.constant 0 : i32
      %dma_wait3A_67 = tpu.memref_slice %arg2[%dma_wait3A_65, %dma_wait3A_66] : memref<10240x128xf32, #tpu.memory_space<hbm>> -> memref<10240x128xf32, #tpu.memory_space<hbm>>
      tpu.wait_indirect_dma semaphore(%arg13 : memref<!tpu.dma_semaphore, #tpu.memory_space<semaphore_mem>>) src(%dma_wait3A_67 : memref<10240x128xf32, #tpu.memory_space<hbm>>) dst(%arg10 : memref<128x128xf32, #tpu.memory_space<vmem>>)
      %mul3A_68 = arith.constant 2 : i32
      %mul3A_69 = arith.muli %mul3A_68, %add3A_37 : i32
      %add3A_70 = arith.constant 1 : i32
      %add3A_71 = arith.addi %mul3A_69, %add3A_70 : i32
      "tpu.region"() ({
        %run_scoped3A = tpu.sem_alloc : memref<!tpu.dma_semaphore, #tpu.memory_space<semaphore_mem>>
        %dma_start3A_72 = arith.constant 0 : i32
        %dma_start3A_73 = tpu.memref_slice %arg8[%add3A_71, %dma_start3A_72] : memref<40x128xi32, #tpu.memory_space<vmem>> -> memref<1x128xi32, #tpu.memory_space<vmem>>
        %dma_start3A_74 = tpu.memref_squeeze %dma_start3A_73 : memref<1x128xi32, #tpu.memory_space<vmem>> -> memref<128xi32, #tpu.memory_space<vmem>>
        %dma_start3A_75 = arith.constant 0 : i32
        %dma_start3A_76 = arith.constant 0 : i32
        %dma_start3A_77 = tpu.memref_slice %arg11[%dma_start3A_75, %dma_start3A_76] : memref<10240x128xf32, #tpu.memory_space<vmem_shared>> -> memref<10240x128xf32, #tpu.memory_space<vmem_shared>>
        tpu.enqueue_indirect_dma source(%arg10 : memref<128x128xf32, #tpu.memory_space<vmem>>) target(%dma_start3A_77 : memref<10240x128xf32, #tpu.memory_space<vmem_shared>>) offsets(%dma_start3A_74 : memref<128xi32, #tpu.memory_space<vmem>>) semaphore(%run_scoped3A : memref<!tpu.dma_semaphore, #tpu.memory_space<semaphore_mem>>) {add = true}
        %dma_wait3A_78 = arith.constant 0 : i32
        %dma_wait3A_79 = tpu.memref_slice %arg8[%add3A_71, %dma_wait3A_78] : memref<40x128xi32, #tpu.memory_space<vmem>> -> memref<1x128xi32, #tpu.memory_space<vmem>>
        %dma_wait3A_80 = tpu.memref_squeeze %dma_wait3A_79 : memref<1x128xi32, #tpu.memory_space<vmem>> -> memref<128xi32, #tpu.memory_space<vmem>>
        %dma_wait3A_81 = arith.constant 0 : i32
        %dma_wait3A_82 = arith.constant 0 : i32
        %dma_wait3A_83 = tpu.memref_slice %arg11[%dma_wait3A_81, %dma_wait3A_82] : memref<10240x128xf32, #tpu.memory_space<vmem_shared>> -> memref<10240x128xf32, #tpu.memory_space<vmem_shared>>
        tpu.wait_indirect_dma semaphore(%run_scoped3A : memref<!tpu.dma_semaphore, #tpu.memory_space<semaphore_mem>>) src(%arg10 : memref<128x128xf32, #tpu.memory_space<vmem>>) dst(%dma_wait3A_83 : memref<10240x128xf32, #tpu.memory_space<vmem_shared>>)
        tpu.yield
      }) : () -> ()
    }
    %scan3A_27 = arith.constant 20 : i32
    %barrier3A_28 = arith.constant 0 : index
    tpu.barrier barrier_id(%barrier3A_28)
    %mul3A_29 = arith.constant 640 : i32
    %mul3A_30 = arith.muli %arg1, %mul3A_29 : i32
    %mul3A_31 = arith.constant 640 : i32
    %mul3A_32 = arith.muli %arg1, %mul3A_31 : i32
    "tpu.region"() ({
      %run_scoped3A = tpu.sem_alloc : memref<!tpu.dma_semaphore, #tpu.memory_space<semaphore_mem>>
      %dma_start3A = arith.constant 0 : i32
      %dma_start3A_33 = tpu.memref_slice %arg6[%arg0, %mul3A_32, %dma_start3A] : memref<2x10240x128xf32, #tpu.memory_space<hbm>> -> memref<1x640x128xf32, #tpu.memory_space<hbm>>
      %dma_start3A_34 = tpu.memref_squeeze %dma_start3A_33 : memref<1x640x128xf32, #tpu.memory_space<hbm>> -> memref<640x128xf32, #tpu.memory_space<hbm>>
      %dma_start3A_35 = arith.constant 0 : i32
      %dma_start3A_36 = tpu.memref_slice %arg11[%mul3A_30, %dma_start3A_35] : memref<10240x128xf32, #tpu.memory_space<vmem_shared>> -> memref<640x128xf32, #tpu.memory_space<vmem_shared>>
      tpu.enqueue_dma source(%dma_start3A_36 : memref<640x128xf32, #tpu.memory_space<vmem_shared>>) target(%dma_start3A_34 : memref<640x128xf32, #tpu.memory_space<hbm>>) target_semaphore(%run_scoped3A : memref<!tpu.dma_semaphore, #tpu.memory_space<semaphore_mem>>)
      %dma_wait3A = arith.constant 0 : i32
      %dma_wait3A_37 = tpu.memref_slice %arg6[%arg0, %mul3A_32, %dma_wait3A] : memref<2x10240x128xf32, #tpu.memory_space<hbm>> -> memref<1x640x128xf32, #tpu.memory_space<hbm>>
      %dma_wait3A_38 = tpu.memref_squeeze %dma_wait3A_37 : memref<1x640x128xf32, #tpu.memory_space<hbm>> -> memref<640x128xf32, #tpu.memory_space<hbm>>
      %dma_wait3A_39 = arith.constant 0 : i32
      %dma_wait3A_40 = tpu.memref_slice %arg11[%mul3A_30, %dma_wait3A_39] : memref<10240x128xf32, #tpu.memory_space<vmem_shared>> -> memref<640x128xf32, #tpu.memory_space<vmem_shared>>
      tpu.wait_dma2 semaphore(%run_scoped3A : memref<!tpu.dma_semaphore, #tpu.memory_space<semaphore_mem>>) src(%dma_wait3A_40 : memref<640x128xf32, #tpu.memory_space<vmem_shared>>) dst(%dma_wait3A_38 : memref<640x128xf32, #tpu.memory_space<hbm>>)
      tpu.yield
    }) : () -> ()
    return
  }
}

module attributes {stable_mosaic.version = 14 : i64} {
  func.func @body(%arg0: i32, %arg1: memref<1024x128xf32, #tpu.memory_space<vmem>>, %arg2: memref<128x128xf32, #tpu.memory_space<vmem>>, %arg3: memref<1024x128xf32, #tpu.memory_space<vmem>>) attributes {dimension_semantics = [#tpu.dimension_semantics<arbitrary>], iteration_bounds = array<i64: 10>, scalar_prefetch = 0 : i64, scratch_operands = 0 : i64, tpu.core_type = #tpu.core_type<tc>, window_params = [{transform_indices = @transform_0, window_bounds = array<i64: 1024, 128>}, {pipeline_mode = #tpu.pipeline_mode<synchronous>, transform_indices = @transform_1, window_bounds = array<i64: 128, 128>}, {transform_indices = @transform_2, window_bounds = array<i64: 1024, 128>}]} {
    %get3A = arith.constant 0 : index
    %get3A_0 = arith.constant 0 : index
    %get3A_1 = vector.load %arg1[%get3A, %get3A_0] : memref<1024x128xf32, #tpu.memory_space<vmem>>, vector<1024x128xf32>
    %get3A_2 = arith.constant 0 : index
    %get3A_3 = arith.constant 0 : index
    %get3A_4 = vector.load %arg2[%get3A_2, %get3A_3] : memref<128x128xf32, #tpu.memory_space<vmem>>, vector<128x128xf32>
    %dot_general3A = arith.constant dense<0.000000e+00> : vector<1024x128xf32>
    %dot_general3A_5 = tpu.matmul %get3A_1, %get3A_4, %dot_general3A {dimension_numbers = #tpu.dot_dimension_numbers<[1], [1], [0], [0], [0, 0, 1, 0], [], []>, precision = #tpu.contract_precision<fp32>, transpose_lhs_hint = false} : vector<1024x128xf32>, vector<128x128xf32>, vector<1024x128xf32> -> vector<1024x128xf32>
    %swap3A = arith.constant 0 : index
    %swap3A_6 = arith.constant 0 : index
    %swap3A_7 = vector.load %arg3[%swap3A, %swap3A_6] : memref<1024x128xf32, #tpu.memory_space<vmem>>, vector<1024x128xf32>
    tpu.vector_store %arg3[%swap3A, %swap3A_6], %dot_general3A_5 {strides = array<i32>} : memref<1024x128xf32, #tpu.memory_space<vmem>>, vector<1024x128xf32>,
    return
  }
  func.func @transform_0(%arg0: i32) -> (i32, i32) {
    %c0_i32 = arith.constant 0 : i32
    %c0_i32_0 = arith.constant 0 : i32
    return %arg0, %c0_i32 : i32, i32
  }
  func.func @transform_1(%arg0: i32) -> (i32, i32) {
    %c0_i32 = arith.constant 0 : i32
    %c0_i32_0 = arith.constant 0 : i32
    %c0_i32_1 = arith.constant 0 : i32
    return %c0_i32, %c0_i32_0 : i32, i32
  }
  func.func @transform_2(%arg0: i32) -> (i32, i32) {
    %c0_i32 = arith.constant 0 : i32
    %c0_i32_0 = arith.constant 0 : i32
    return %arg0, %c0_i32 : i32, i32
  }
}

module attributes {stable_mosaic.version = 14 : i64} {
  func.func @body(%arg0: i32, %arg1: memref<1024x128xf32, #tpu.memory_space<vmem>>, %arg2: memref<32x1024xf32, #tpu.memory_space<vmem>>, %arg3: memref<1024x128xf32, #tpu.memory_space<vmem>>) attributes {dimension_semantics = [#tpu.dimension_semantics<arbitrary>], iteration_bounds = array<i64: 10>, scalar_prefetch = 0 : i64, scratch_operands = 0 : i64, tpu.core_type = #tpu.core_type<tc>, window_params = [{transform_indices = @transform_0, window_bounds = array<i64: 1024, 128>}, {transform_indices = @transform_1, window_bounds = array<i64: 32, 1024>}, {transform_indices = @transform_2, window_bounds = array<i64: 1024, 128>}]} {
    %broadcast_in_dim3A = arith.constant 1.000000e+00 : f32
    %broadcast_in_dim3A_0 = vector.broadcast %broadcast_in_dim3A : f32 to vector<32x1xf32>
    %get3A = arith.constant 0 : index
    %get3A_1 = arith.constant 0 : index
    %get3A_2 = vector.load %arg2[%get3A, %get3A_1] : memref<32x1024xf32, #tpu.memory_space<vmem>>, vector<32x1024xf32>
    %dot_general3A = arith.constant dense<0.000000e+00> : vector<1024x1xf32>
    %dot_general3A_3 = tpu.matmul %get3A_2, %broadcast_in_dim3A_0, %dot_general3A {dimension_numbers = #tpu.dot_dimension_numbers<[0], [0], [1], [1], [0, 1, 1, 1], [], []>, precision = #tpu.contract_precision<fp32>, transpose_lhs_hint = false} : vector<32x1024xf32>, vector<32x1xf32>, vector<1024x1xf32> -> vector<1024x1xf32>
    %add3A = arith.constant 1.000000e+00 : f32
    %add3A_4 = vector.broadcast %add3A : f32 to vector<1024x1xf32>
    %add3A_5 = arith.addf %dot_general3A_3, %add3A_4 : vector<1024x1xf32>
    %get3A_6 = arith.constant 0 : index
    %get3A_7 = arith.constant 0 : index
    %get3A_8 = vector.load %arg1[%get3A_6, %get3A_7] : memref<1024x128xf32, #tpu.memory_space<vmem>>, vector<1024x128xf32>
    %rsqrt3A = math.rsqrt %add3A_5 : vector<1024x1xf32>
    %mul3A = vector.broadcast %rsqrt3A : vector<1024x1xf32> to vector<1024x128xf32>
    %mul3A_9 = arith.mulf %get3A_8, %mul3A : vector<1024x128xf32>
    %swap3A = arith.constant 0 : index
    %swap3A_10 = arith.constant 0 : index
    %swap3A_11 = vector.load %arg3[%swap3A, %swap3A_10] : memref<1024x128xf32, #tpu.memory_space<vmem>>, vector<1024x128xf32>
    tpu.vector_store %arg3[%swap3A, %swap3A_10], %mul3A_9 {strides = array<i32>} : memref<1024x128xf32, #tpu.memory_space<vmem>>, vector<1024x128xf32>,
    return
  }
  func.func @transform_0(%arg0: i32) -> (i32, i32) {
    %c0_i32 = arith.constant 0 : i32
    %c0_i32_0 = arith.constant 0 : i32
    return %arg0, %c0_i32 : i32, i32
  }
  func.func @transform_1(%arg0: i32) -> (i32, i32) {
    %c0_i32 = arith.constant 0 : i32
    %c0_i32_0 = arith.constant 0 : i32
    return %c0_i32, %arg0 : i32, i32
  }
  func.func @transform_2(%arg0: i32) -> (i32, i32) {
    %c0_i32 = arith.constant 0 : i32
    %c0_i32_0 = arith.constant 0 : i32
    return %arg0, %c0_i32 : i32, i32
  }
}

module attributes {stable_mosaic.version = 14 : i64} {
  func.func @body(%arg0: i32, %arg1: memref<1024x128xf32, #tpu.memory_space<vmem>>, %arg2: memref<1024x128xf32, #tpu.memory_space<vmem>>, %arg3: memref<1024x128xf32, #tpu.memory_space<vmem>>, %arg4: memref<32x1024xf32, #tpu.memory_space<vmem>>, %arg5: memref<1x128xf32, #tpu.memory_space<vmem>>, %arg6: memref<1024x128xf32, #tpu.memory_space<vmem>>) attributes {dimension_semantics = [#tpu.dimension_semantics<arbitrary>], iteration_bounds = array<i64: 10>, scalar_prefetch = 0 : i64, scratch_operands = 0 : i64, tpu.core_type = #tpu.core_type<tc>, window_params = [{transform_indices = @transform_0, window_bounds = array<i64: 1024, 128>}, {transform_indices = @transform_1, window_bounds = array<i64: 1024, 128>}, {transform_indices = @transform_2, window_bounds = array<i64: 1024, 128>}, {transform_indices = @transform_3, window_bounds = array<i64: 32, 1024>}, {pipeline_mode = #tpu.pipeline_mode<synchronous>, transform_indices = @transform_4, window_bounds = array<i64: 1, 128>}, {transform_indices = @transform_5, window_bounds = array<i64: 1024, 128>}]} {
    %broadcast_in_dim3A = arith.constant 1.000000e+00 : f32
    %broadcast_in_dim3A_0 = vector.broadcast %broadcast_in_dim3A : f32 to vector<32x1xf32>
    %get3A = arith.constant 0 : index
    %get3A_1 = arith.constant 0 : index
    %get3A_2 = vector.load %arg4[%get3A, %get3A_1] : memref<32x1024xf32, #tpu.memory_space<vmem>>, vector<32x1024xf32>
    %dot_general3A = arith.constant dense<0.000000e+00> : vector<1024x1xf32>
    %dot_general3A_3 = tpu.matmul %get3A_2, %broadcast_in_dim3A_0, %dot_general3A {dimension_numbers = #tpu.dot_dimension_numbers<[0], [0], [1], [1], [0, 1, 1, 1], [], []>, precision = #tpu.contract_precision<fp32>, transpose_lhs_hint = false} : vector<32x1024xf32>, vector<32x1xf32>, vector<1024x1xf32> -> vector<1024x1xf32>
    %add3A = arith.constant 1.000000e+00 : f32
    %add3A_4 = vector.broadcast %add3A : f32 to vector<1024x1xf32>
    %add3A_5 = arith.addf %dot_general3A_3, %add3A_4 : vector<1024x1xf32>
    %rsqrt3A = math.rsqrt %add3A_5 : vector<1024x1xf32>
    %get3A_6 = arith.constant 0 : index
    %get3A_7 = arith.constant 0 : index
    %get3A_8 = vector.load %arg1[%get3A_6, %get3A_7] : memref<1024x128xf32, #tpu.memory_space<vmem>>, vector<1024x128xf32>
    %get3A_9 = arith.constant 0 : index
    %get3A_10 = arith.constant 0 : index
    %get3A_11 = vector.load %arg2[%get3A_9, %get3A_10] : memref<1024x128xf32, #tpu.memory_space<vmem>>, vector<1024x128xf32>
    %add3A_12 = arith.addf %get3A_8, %get3A_11 : vector<1024x128xf32>
    %mul3A = vector.broadcast %rsqrt3A : vector<1024x1xf32> to vector<1024x128xf32>
    %mul3A_13 = arith.mulf %mul3A, %add3A_12 : vector<1024x128xf32>
    %mul3A_14 = arith.mulf %rsqrt3A, %rsqrt3A : vector<1024x1xf32>
    %get3A_15 = arith.constant 0 : index
    %get3A_16 = arith.constant 0 : index
    %get3A_17 = vector.load %arg3[%get3A_15, %get3A_16] : memref<1024x128xf32, #tpu.memory_space<vmem>>, vector<1024x128xf32>
    %mul3A_18 = vector.broadcast %mul3A_14 : vector<1024x1xf32> to vector<1024x128xf32>
    %mul3A_19 = arith.mulf %mul3A_18, %get3A_17 : vector<1024x128xf32>
    %add3A_20 = arith.addf %mul3A_13, %mul3A_19 : vector<1024x128xf32>
    %get3A_21 = arith.constant 0 : index
    %get3A_22 = arith.constant 0 : index
    %get3A_23 = vector.load %arg5[%get3A_21, %get3A_22] : memref<1x128xf32, #tpu.memory_space<vmem>>, vector<1x128xf32>
    %add3A_24 = vector.broadcast %get3A_23 : vector<1x128xf32> to vector<1024x128xf32>
    %add3A_25 = arith.addf %add3A_20, %add3A_24 : vector<1024x128xf32>
    %swap3A = arith.constant 0 : index
    %swap3A_26 = arith.constant 0 : index
    %swap3A_27 = vector.load %arg6[%swap3A, %swap3A_26] : memref<1024x128xf32, #tpu.memory_space<vmem>>, vector<1024x128xf32>
    tpu.vector_store %arg6[%swap3A, %swap3A_26], %add3A_25 {strides = array<i32>} : memref<1024x128xf32, #tpu.memory_space<vmem>>, vector<1024x128xf32>,
    return
  }
  func.func @transform_0(%arg0: i32) -> (i32, i32) {
    %c0_i32 = arith.constant 0 : i32
    %c0_i32_0 = arith.constant 0 : i32
    return %arg0, %c0_i32 : i32, i32
  }
  func.func @transform_1(%arg0: i32) -> (i32, i32) {
    %c0_i32 = arith.constant 0 : i32
    %c0_i32_0 = arith.constant 0 : i32
    return %arg0, %c0_i32 : i32, i32
  }
  func.func @transform_2(%arg0: i32) -> (i32, i32) {
    %c0_i32 = arith.constant 0 : i32
    %c0_i32_0 = arith.constant 0 : i32
    return %arg0, %c0_i32 : i32, i32
  }
  func.func @transform_3(%arg0: i32) -> (i32, i32) {
    %c0_i32 = arith.constant 0 : i32
    %c0_i32_0 = arith.constant 0 : i32
    return %c0_i32, %arg0 : i32, i32
  }
  func.func @transform_4(%arg0: i32) -> (i32, i32) {
    %c0_i32 = arith.constant 0 : i32
    %c0_i32_0 = arith.constant 0 : i32
    %c0_i32_1 = arith.constant 0 : i32
    return %c0_i32, %c0_i32_0 : i32, i32
  }
  func.func @transform_5(%arg0: i32) -> (i32, i32) {
    %c0_i32 = arith.constant 0 : i32
    %c0_i32_0 = arith.constant 0 : i32
    return %arg0, %c0_i32 : i32, i32
  }
}

</mosaic_0001>

<sc_bundles>
// kernel: kernel.10.cloned.1.call-start
scs
__scs_entry_jumppad:
0x0: {  	(pc) =	sbr.rel $0x88, $3  }
0x1: {  	(tag) =	ssettag $0x0;
	lr =	simm.s32 $0x1  }
0x2: {  	[smem:$0x3F9D] =	sst lr;
	_ =	strace $0xD0000000  }
0x3: {  	_ = 	snop  }
0x4: {  	_ = 	snop  }
0x5: {  	_ = 	snop  }
0x6: {  	_ = 	snop  }
0x7: {  	_ = 	snop  }
__scs_overlays_trampoline_lowered:
0x8: {  	[smem:$0x3FAC] =	sst s0  }
0x9: {  	[smem:$0x3FAD] =	sst s1  }
0xa: {  	[smem:$0x3FAE] =	sst s2  }
0xb: {  	[smem:$0x3FAF] =	sst s3  }
0xc: {  	[smem:$0x3FB0] =	sst s4  }
0xd: {  	[smem:$0x3FB1] =	sst s5  }
0xe: {  	[smem:$0x3FB2] =	sst s6  }
0xf: {  	[smem:$0x3FB3] =	sst s7  }
0x10: {  	[smem:$0x3FB4] =	sst s8  }
0x11: {  	[smem:$0x3FB5] =	sst s9;
	s0 =	simm.s32 @!p0 $0x0  }
0x12: {  	s1 =	sld [smem:$0x3F9B];
	s0 =	simm.s32 @p0 $0x1  }
0x13: {  	[smem:$0x3FB6] =	sst s0;
	s0 =	simm.s32 @!p1 $0x0  }
0x14: {  	s2 =	sld [smem:$0x3F9A];
	s0 =	simm.s32 @p1 $0x1  }
0x15: {  	[smem:$0x3FB7] =	sst s0;
	s0 =	simm.s32 @!p2 $0x0  }
0x16: {  	s3 =	sld [smem:$0x3FDB];
	s0 =	simm.s32 @p2 $0x1  }
0x17: {  	s4 =	simm.s32 $0x1BF5;
	[smem:$0x3FB9] =	sst s0  }
0x18: {  	s0 =	sld [smem:$0x3F9C];
	_ =	swait.ge [sflag:s4], $0x0  }
0x19: {  	s7 =	sld [smem:$0x3F9D]  }
0x1a: {  	s8 =	sadd.s32 $0xFFFFE003, lr  }
0x1b: {  	s9 =	sadd.s32 $0xFFFFFEF7, lr;
	s5 =	simm.s32 $0xFFFFFFFF;
	p2 =	slt.u32 s8, $0xFFFFF086  }
0x1c: {  	p1 =	slt.u32 s9, $0xF7A;
	s5 =	simm.s32 @!p2 $0x0  }
0x1d: {  	s5 =	simm.s32 @p1 $0x1;
	p0 =	seq.s32 s7, s2  }
0x1e: {  	s7 =	smul.u32 @!p0 $0xF7A, s2;
	p2 =	seq.s32 @!p0 s5, $0x0  }
0x1f: {  	s9 =	smul.u32 $0xF7A, s1;
	s8 =	simm.s32 @!p0 $0x1BF5;
	p2 =	por !p2, p0  }
0x20: {  	[sflag:s8] =	ssyncset.s32 @!p0 $0xFFFFF086;
	s6 =	sadd.s32 @!p0 s3, s7;
	s7 =	simm.s32 @!p0 $0x108  }
0x21: {  	s3 =	sadd.s32 s3, s9;
	s6 =	sadd.s32 @!p0 $0x88, s6;
	s7 =	simm.s32 @p2 $0x1082  }
0x22: {  	[simem:s7], [sflag:s8] =	dma.local @!p0 [hbm:s6], $0xF7A  }
0x23: {  	s9 =	sor.u32 $0xD0000000, s2;
	s6 =	simm.s32 $0x108;
	_ =	swait.ge @!p0 [sflag:s8], $0x0  }
0x24: {  	s3 =	sadd.s32 $0x88, s3;
	s6 =	simm.s32 @!p1 $0x1082;
	[sflag:s4] =	ssyncset.s32 $0xFFFFF086  }
0x25: {  	[simem:s6], [sflag:s4] =	dma.local [hbm:s3], $0xF7A  }
0x26: {  	[smem:$0x3F9D] =	sst s1;
	(tag) =	ssettag s2;
	_ =	strace s9  }
0x27: {  	s1 =	sld [smem:$0x3FAD]  }
0x28: {  	s2 =	sld [smem:$0x3FAE]  }
0x29: {  	s4 =	sld [smem:$0x3FB0]  }
0x2a: {  	p0 =	seq.s32 s5, $0x0;
	s5 =	sld [smem:$0x3FB1]  }
0x2b: {  	s6 =	sld [smem:$0x3FB2]  }
0x2c: {  	s7 =	sld [smem:$0x3FB3]  }
0x2d: {  	s3 =	simm.s32 $0x108;
	s8 =	sld [smem:$0x3FB4]  }
0x2e: {  	s3 =	simm.s32 @!p0 $0x1082;
	s9 =	sld [smem:$0x3FB5]  }
0x2f: {  	lr =	sadd.s32 s0, s3;
	s0 =	sld [smem:$0x3FAC]  }
0x30: {  	s3 =	sld [smem:$0x3FAF]  }
0x31: {  	[smem:$0x3FB8] =	sst s10  }
0x32: {  	s10 =	sld [smem:$0x3FB6];
	_ =	sdelay $0x3  }
0x33: {  	p0 =	seq.s32 s10, $0x1;
	s10 =	sld [smem:$0x3FB8];
	_ =	sdelay $0x3  }
0x34: {  	[smem:$0x3FB8] =	sst s10  }
0x35: {  	s10 =	sld [smem:$0x3FB7];
	_ =	sdelay $0x3  }
0x36: {  	p1 =	seq.s32 s10, $0x1;
	s10 =	sld [smem:$0x3FB8];
	_ =	sdelay $0x3  }
0x37: {  	[smem:$0x3FB8] =	sst s10  }
0x38: {  	s10 =	sld [smem:$0x3FB9]  }
0x39: {  	_ = 	snop;
	(pc) =	sbr.ind lr, $3  }
0x3a: {  	_ = 	snop  }
0x3b: {  	_ = 	snop  }
0x3c: {  	p2 =	seq.s32 s10, $0x1;
	s10 =	sld [smem:$0x3FB8]  }
0x3d: {  	_ =	shalt  }
0x3e: {  	_ =	shalt  }
0x3f: {  	_ =	shalt  }
0x40: {  	_ =	shalt  }
0x41: {  	_ =	shalt  }
0x42: {  	_ =	shalt  }
0x43: {  	_ =	shalt  }
0x44: {  	_ =	shalt  }
0x45: {  	_ =	shalt  }
0x46: {  	_ =	shalt  }
0x47: {  	_ =	shalt  }
0x48: {  	_ =	shalt  }
0x49: {  	_ =	shalt  }
0x4a: {  	_ =	shalt  }
0x4b: {  	_ =	shalt  }
0x4c: {  	_ =	shalt  }
0x4d: {  	_ =	shalt  }
0x4e: {  	_ =	shalt  }
0x4f: {  	_ =	shalt  }
0x50: {  	_ =	shalt  }
0x51: {  	_ =	shalt  }
0x52: {  	_ =	shalt  }
0x53: {  	_ =	shalt  }
0x54: {  	_ =	shalt  }
0x55: {  	_ =	shalt  }
0x56: {  	_ =	shalt  }
0x57: {  	_ =	shalt  }
0x58: {  	_ =	shalt  }
0x59: {  	_ =	shalt  }
0x5a: {  	_ =	shalt  }
0x5b: {  	_ =	shalt  }
0x5c: {  	_ =	shalt  }
0x5d: {  	_ =	shalt  }
0x5e: {  	_ =	shalt  }
0x5f: {  	_ =	shalt  }
0x60: {  	_ =	shalt  }
0x61: {  	_ =	shalt  }
0x62: {  	_ =	shalt  }
0x63: {  	_ =	shalt  }
0x64: {  	_ =	shalt  }
0x65: {  	_ =	shalt  }
0x66: {  	_ =	shalt  }
0x67: {  	_ =	shalt  }
0x68: {  	_ =	shalt  }
0x69: {  	_ =	shalt  }
0x6a: {  	_ =	shalt  }
0x6b: {  	_ =	shalt  }
0x6c: {  	_ =	shalt  }
0x6d: {  	_ =	shalt  }
0x6e: {  	_ =	shalt  }
0x6f: {  	_ =	shalt  }
0x70: {  	_ =	shalt  }
0x71: {  	_ =	shalt  }
0x72: {  	_ =	shalt  }
0x73: {  	_ =	shalt  }
0x74: {  	_ =	shalt  }
0x75: {  	_ =	shalt  }
0x76: {  	_ =	shalt  }
0x77: {  	_ =	shalt  }
0x78: {  	_ =	shalt  }
0x79: {  	_ =	shalt  }
0x7a: {  	_ =	shalt  }
0x7b: {  	_ =	shalt  }
0x7c: {  	_ =	shalt  }
0x7d: {  	_ =	shalt  }
0x7e: {  	_ =	shalt  }
0x7f: {  	_ =	shalt  }
0x80: {  	_ =	shalt  }
0x81: {  	_ =	shalt  }
0x82: {  	_ =	shalt  }
0x83: {  	_ =	shalt  }
0x84: {  	_ =	shalt  }
0x85: {  	_ =	shalt  }
0x86: {  	_ =	shalt  }
0x87: {  	_ =	shalt  }
.Lfunc_end0:
.L_simem_size_0:
called_computation.1_lowered:
.L_overlay_start_0:
0x88: {  	s2 =	sld [smem:$0x3FD9]  }
0x89: {  	s3 =	sld [smem:$0x3FFE];
	_ =	sdelay $0x1  }
0x8a: {  	s1 =	srdreg.scid  }
0x8b: {  	s0 =	sand.u32 $0x1, s1  }
0x8c: {  	s17 =	sshll.u32 s0, $0xA;
	s2 =	sadd.s32 s3, s2  }
0x8d: {  	s2 =	sadd.s32 s2, s17  }
0x8e: {  	[smem:$0x3FC4] =	sst s2  }
0x8f: {  	_ = 	snop  }
0x90: {  	s2 =	sld [smem:$0x3FD0];
	(tm) =	ssettm $0x1  }
0x91: {  	s18 =	sld [smem:$0x3FFB];
	_ =	sdelay $0x3  }
0x92: {  	_ =	strace s18  }
0x93: {  	s3 =	sld [smem:$0x3FFC];
	_ =	sdelay $0x3  }
0x94: {  	_ =	strace s3  }
0x95: {  	s3 =	sld [smem:$0x3FFD];
	_ =	sdelay $0x3  }
0x96: {  	_ =	strace s3  }
0x97: {  	_ =	strace $0x8FFFFFFF  }
0x98: {  	s19 =	sld [smem:$0x3FDB];
	_ =	sdelay $0x1  }
0x99: {  	s4 =	simm.s32 $_scs_section_size  }
0x9a: {  	s5 =	simm.s32 $_size__tile_overlayer_lowered;
	s6 =	simm.s32 $_tile_overlayer_lowered  }
0x9b: {  	s22 =	simm.s32 $0x1BFF;
	s21 =	sshll.u32 s6, $0x1;
	s3 =	sadd.s32 s4, s19  }
0x9c: {  	s7 =	simm.s32 $0x0;
	s20 =	sshll.u32 s5, $0x1;
	s5 =	sadd.s32 s21, s3  }
0x9d: {  	[timem:s7], [sflag:s22] =	dma.local [hbm:s5], s20  }
0x9e: {  	_ =	swait.ge [sflag:s22], s20  }
0x9f: {  	s4 =	ssub.s32 $0x0, s20;
	[sflag:s22] =	ssyncset.done $0x0  }
0xa0: {  	[sflag:s22] =	ssyncadd.s32 s4;
	_ =	sdelay $0x1  }
0xa1: {  	s23 =	simm.s32 $0x1B8B  }
0xa2: {  	_ =	swait.ge [sflag:s23], $0x1  }
0xa3: {  	[sflag:s23] =	ssyncset.done $0x0  }
0xa4: {  	s25 =	simm.s32 $0x1B8E;
	s24 =	sld [smem:$0x3FFE];
	[sflag:s23] =	ssyncadd.s32 $0xFFFFFFFF  }
0xa5: {  	s26 =	simm.s32 $execute0_lowered;
	[smem:$0x3FD2] =	sst s25  }
0xa6: {  	s5 =	sshll.u32 s26, $0x1;
	_ =	strace $0x80000049;
	[dreg:$0x1] =	wrdreg $0xFFFFFFFF  }
0xa7: {  	s28 =	simm.s32 $_size_execute0_lowered;
	s3 =	sadd.s32 s3, s5;
	[dreg:$0x0] =	wrdreg $0x0  }
0xa8: {  	s5 =	sshll.u32 s28, $0x1;
	[dreg:$0x2] =	wrdreg s3  }
0xa9: {  	[dreg:$0x3] =	wrdreg s5  }
0xaa: {  	[dreg:$0x4] =	wrdreg $0xC0  }
0xab: {  	_ =	task [dreg:s7], $0x5FFFF  }
0xac: {  	[dreg:$0x1] =	wrdreg $0xFFFFFFFF  }
0xad: {  	[dreg:$0x0] =	wrdreg $0x60  }
0xae: {  	[dreg:$0x2] =	wrdreg s24  }
0xaf: {  	[dreg:$0x3] =	wrdreg s2  }
0xb0: {  	[dreg:$0x4] =	wrdreg $0xA8000  }
0xb1: {  	[dreg:$0x5] =	wrdreg $0x9  }
0xb2: {  	_ =	task.clear_ibuf [dreg:s7], $0x6FFFF;
	_ =	strace $0x90000049  }
0xb3: {  	s29 =	simm.s32 $0x9;
	_ =	strace $0x8000004B  }
0xb4: {  	_ =	swait.ge [sflag:s29], $0x1  }
0xb5: {  	[sflag:s29] =	ssyncadd.s32 $0xFFFFFFFF  }
0xb6: {  	_ =	strace $0x9000004B  }
0xb7: {  	_ =	sfence  }
0xb8: {  	s30 =	sld [smem:$0x0];
	_ =	sdelay $0x2  }
0xb9: {  	s31 =	sshll.u32 s1, $0xD;
	s1 =	sshrl.u32 s1, $0x2  }
0xba: {  	s3 =	sand.u32 $0x4000, s31;
	s1 =	sadd.s32 s1, s30  }
0xbb: {  	s0 =	sor.u32 s3, s0;
	s1 =	sshll.u32 s1, $0x11  }
0xbc: {  	s0 =	sor.u32 s1, s0  }
0xbd: {  	s0 =	sadd.s32 $0x8F2B, s0  }
0xbe: {  	[sflag:s0] =	ssyncadd.remote.s32 $0x1  }
0xbf: {  	_ =	sfence.sel $0xFFFF  }
0xc0: {  	[dreg:$0x0] =	wrdreg $0xFFFFFFFF;
	(pc) =	sbr.abs _section_cstart, $3  }
0xc1: {  	[dreg:$0x1] =	wrdreg $0xFFFFFFFF  }
0xc2: {  	_ =	task.clear_ibuf [dreg:s7], $0x2FFFF;
	_ =	strace $0x9FFFFFFF  }
0xc3: {  	(tm) =	ssettm $0x7FFFFFFF  }
tec
execute0_lowered:
.L_overlay_start_1:
0x0: {  	(tag) =	ssettag $0x1  }
0x1: {  	s6 =	rddreg [dreg:$0x0]  }
0x2: {  	s1 =	rddreg [dreg:$0x1]  }
0x3: {  	s2 =	rddreg [dreg:$0x2]  }
0x4: {  	s3 =	srdreg.scid;
	s0 =	rddreg [dreg:$0x3]  }
0x5: {  	s4 =	simm.s32 $0x0;
	s16 =	simm.s32 $0x80;
	s17 =	simm.s32 $0x2800  }
0x6: {  	s18 =	simm.s32 $0x6800;
	s19 =	simm.s32 $0x1;
	s20 =	simm.s32 $0x2  }
0x7: {  	s21 =	simm.s32 $0x0;
	s7 =	sand.u32 $0x1, s3;
	s3 =	stileid.u32  }
0x8: {  	[smem:$0x7FF] =	sst s4;
	s5 =	sadd.s32 $0x1F800, s6;
	s8 =	smul.u32 $0x140000, s7  }
0x9: {  	s10 =	sadd.s32 $0x15800, s6;
	s11 =	sadd.s32 $0xB800, s6;
	s9 =	smul.u32 $0x14000, s3  }
0xa: {  	_ =	strace $0x8000004A;
	s24 =	sshll.u32 s7, $0x4;
	s7 =	ssub.s32 $0x2, s7  }
0xb: {  	s12 =	smul.u32 $0x50000, s3;
	s26 =	sshll.u32 s3, $0x6;
	s13 =	sshrl.u32 s7, $0x1  }
0xc: {  	s8 =	sadd.s32 s9, s8;
	s9 =	sor.u32 s3, s24;
	s13 =	ssub.s32 s7, s13  }
0xd: {  	s25 =	sshrl.u32 s12, $0x2;
	s8 =	sshrl.u32 s8, $0x3;
	s14 =	smul.u32 $0x2800, s9  }
0xe: {  	s28 =	smul.u32 $0x500, s9;
	s30 =	sadd.s32 s25, s2;
	s12 =	smax.u32 s13, $0x1  }
0xf: {  	s15 =	sadd.s32 s8, s6;
	s6 =	sor.u32 $0x1C03, s26;
	s29 =	sshrl.u32 s14, $0x3  }
0x10: {  	s13 =	sshrl.u32 s30, $0x3;
	s7 =	sadd.s32 s10, s28;
	s31 =	sadd.s32 $0x280, s29  }
0x11: {  	s8 =	sadd.s32 s11, s28;
	s14 =	simm.s32 $0x3;
	s9 =	sadd.s32 s10, s31  }
0x12: {  	s10 =	sadd.s32 s11, s31;
	s11 =	sadd.s32 $0x47800, s15;
	s15 =	simm.s32 $0x1400  }
.LBB2_1:
0x13: {  	[spmem:s13], [sflag:s6] =	dma.local [hbm:s1], $0x2800  }
0x14: {  	_ =	swait.ge [sflag:s14], $0x2800  }
0x15: {  	[sflag:s14] =	ssyncset.done $0x0  }
0x16: {  	[sflag:s14] =	ssyncadd.s32 $0xFFFFD800  }
0x17: {  	[bflag:$0x0] =	sbarrier.arrive $0xFFFF  }
0x18: {  	[tilespmem:s4], [sflag:$0x3] =	stream.linear.gather [hbm4b:s7+s4], $0x1400, $0x38;
	[tilespmem:$0x1E800] =	vst v63  }
0x19: {  	_ =	swait.ge [sflag:s14], $0x1400  }
0x1a: {  	[sflag:s14] =	ssyncset.done $0x0  }
0x1b: {  	[sflag:s14] =	ssyncadd.s32 $0xFFFFEC00  }
0x1c: {  	[tilespmem:s15], [sflag:$0x3] =	stream.linear.gather [hbm4b:s8+s4], $0x1400, $0x38;
	[tilespmem:$0x1E800] =	vst v63  }
0x1d: {  	_ =	swait.ge [sflag:s14], $0x1400  }
0x1e: {  	[sflag:s14] =	ssyncset.done $0x0  }
0x1f: {  	s22 =	simm.s32 $0x0;
	[sflag:s14] =	ssyncadd.s32 $0xFFFFEC00  }
0x20: {  	[tilespmem:s17], [sflag:$0x1] =	stream.indirect.gather [hbm4b:s5+s16], $0x80, s22, s16, $0xb8;
	[tilespmem:$0x1E800] =	vst v63  }
0x21: {  	s29 =	simm.s32 $0x80  }
0x22: {  	[tilespmem:s18], [sflag:$0x2] =	stream.indirect.gather [hbm4b:s5+s16], $0x80, s29, s16, $0xb8;
	[tilespmem:$0x1E800] =	vst v63  }
0x23: {  	_ =	swait.ge [sflag:s19], $0x4000  }
0x24: {  	[sflag:s19] =	ssyncset.done $0x0  }
0x25: {  	s30 =	simm.s32 $0x1400;
	[sflag:s19] =	ssyncadd.s32 $0xFFFFC000  }
0x26: {  	[spmem:s2] =	stream.indirect.scatter.add.f32 [tilespmem:s17], [sflag:$0x3], $0x80, s30, s16, $0xb8;
	[tilespmem:$0x1E800] =	vst v63  }
0x27: {  	_ =	swait.ge [sflag:s14], $0x4000  }
0x28: {  	[sflag:s14] =	ssyncset.done $0x0  }
0x29: {  	[sflag:s14] =	ssyncadd.s32 $0xFFFFC000  }
0x2a: {  	_ =	swait.ge [sflag:s20], $0x4000  }
0x2b: {  	[sflag:s20] =	ssyncset.done $0x0  }
0x2c: {  	s31 =	simm.s32 $0x1480;
	[sflag:s20] =	ssyncadd.s32 $0xFFFFC000  }
0x2d: {  	[spmem:s2] =	stream.indirect.scatter.add.f32 [tilespmem:s18], [sflag:$0x3], $0x80, s31, s16, $0xb8;
	[tilespmem:$0x1E800] =	vst v63  }
0x2e: {  	_ =	swait.ge [sflag:s14], $0x4000  }
0x2f: {  	s23 =	simm.s32 $0x800;
	s22 =	simm.s32 $0x400;
	[sflag:s14] =	ssyncset.done $0x0  }
.LBB2_2:
0x30: {  	s24 =	sshra.s32 s22, $0x2  }
0x31: {  	[sflag:s14] =	ssyncadd.s32 $0xFFFFC000;
	s22 =	smov.u32 s23;
	s25 =	sadd.s32 $0x400, s23  }
0x32: {  	[tilespmem:s17], [sflag:$0x1] =	stream.indirect.gather [hbm4b:s5+s16], $0x80, s24, s16, $0xb8;
	[tilespmem:$0x1E800] =	vst v63  }
0x33: {  	p0 =	sne.s32 s23, $0x4C00;
	s23 =	sadd.s32 $0x80, s24  }
0x34: {  	[tilespmem:s18], [sflag:$0x2] =	stream.indirect.gather [hbm4b:s5+s16], $0x80, s23, s16, $0xb8;
	[tilespmem:$0x1E800] =	vst v63  }
0x35: {  	_ =	swait.ge [sflag:s19], $0x4000  }
0x36: {  	[sflag:s19] =	ssyncset.done $0x0  }
0x37: {  	s23 =	sadd.s32 $0x1400, s24;
	[sflag:s19] =	ssyncadd.s32 $0xFFFFC000  }
0x38: {  	[spmem:s2] =	stream.indirect.scatter.add.f32 [tilespmem:s17], [sflag:$0x3], $0x80, s23, s16, $0xb8;
	[tilespmem:$0x1E800] =	vst v63  }
0x39: {  	_ =	swait.ge [sflag:s14], $0x4000  }
0x3a: {  	[sflag:s14] =	ssyncset.done $0x0  }
0x3b: {  	[sflag:s14] =	ssyncadd.s32 $0xFFFFC000  }
0x3c: {  	_ =	swait.ge [sflag:s20], $0x4000  }
.Ltmp0:
0x3d: {  	[sflag:s20] =	ssyncset.done $0x0;
	(pc) =	sbr.rel @p0 .LBB2_2-.Ltmp0, $4  }
0x3e: {  	s23 =	sadd.s32 $0x1480, s24;
	[sflag:s20] =	ssyncadd.s32 $0xFFFFC000  }
0x3f: {  	[spmem:s2] =	stream.indirect.scatter.add.f32 [tilespmem:s18], [sflag:$0x3], $0x80, s23, s16, $0xb8;
	[tilespmem:$0x1E800] =	vst v63  }
0x40: {  	_ =	swait.ge [sflag:s14], $0x4000  }
0x41: {  	s23 =	smov.u32 s25;
	[sflag:s14] =	ssyncset.done $0x0  }
0x42: {  	s22 =	sshra.s32 s22, $0x2;
	[sflag:s14] =	ssyncadd.s32 $0xFFFFC000  }
0x43: {  	[tilespmem:s17], [sflag:$0x1] =	stream.indirect.gather [hbm4b:s5+s16], $0x80, s22, s16, $0xb8;
	[tilespmem:$0x1E800] =	vst v63  }
0x44: {  	s23 =	sadd.s32 $0x80, s22  }
0x45: {  	[tilespmem:s18], [sflag:$0x2] =	stream.indirect.gather [hbm4b:s5+s16], $0x80, s23, s16, $0xb8;
	[tilespmem:$0x1E800] =	vst v63  }
0x46: {  	_ =	swait.ge [sflag:s19], $0x4000  }
0x47: {  	[sflag:s19] =	ssyncset.done $0x0  }
0x48: {  	s25 =	sadd.s32 $0x1400, s22;
	[sflag:s19] =	ssyncadd.s32 $0xFFFFC000  }
0x49: {  	[spmem:s2] =	stream.indirect.scatter.add.f32 [tilespmem:s17], [sflag:$0x3], $0x80, s25, s16, $0xb8;
	[tilespmem:$0x1E800] =	vst v63  }
0x4a: {  	_ =	swait.ge [sflag:s14], $0x4000  }
0x4b: {  	[sflag:s14] =	ssyncset.done $0x0  }
0x4c: {  	[sflag:s14] =	ssyncadd.s32 $0xFFFFC000  }
0x4d: {  	_ =	swait.ge [sflag:s20], $0x4000  }
0x4e: {  	[sflag:s20] =	ssyncset.done $0x0  }
0x4f: {  	s22 =	sadd.s32 $0x1480, s22;
	[sflag:s20] =	ssyncadd.s32 $0xFFFFC000  }
0x50: {  	[spmem:s2] =	stream.indirect.scatter.add.f32 [tilespmem:s18], [sflag:$0x3], $0x80, s22, s16, $0xb8;
	[tilespmem:$0x1E800] =	vst v63  }
0x51: {  	_ =	swait.ge [sflag:s14], $0x4000  }
0x52: {  	[sflag:s14] =	ssyncset.done $0x0  }
0x53: {  	s26 =	simm.s32 $0x0;
	[sflag:s14] =	ssyncadd.s32 $0xFFFFC000  }
0x54: {  	[tilespmem:s26], [sflag:$0x3] =	stream.linear.gather [hbm4b:s9+s26], $0x1400, $0x38;
	[tilespmem:$0x1E800] =	vst v63  }
0x55: {  	_ =	swait.ge [sflag:s14], $0x1400  }
0x56: {  	[sflag:s14] =	ssyncset.done $0x0  }
0x57: {  	[sflag:s14] =	ssyncadd.s32 $0xFFFFEC00  }
0x58: {  	[tilespmem:s15], [sflag:$0x3] =	stream.linear.gather [hbm4b:s10+s26], $0x1400, $0x38;
	[tilespmem:$0x1E800] =	vst v63  }
0x59: {  	_ =	swait.ge [sflag:s14], $0x1400  }
0x5a: {  	[sflag:s14] =	ssyncset.done $0x0  }
0x5b: {  	s28 =	simm.s32 $0x0;
	[sflag:s14] =	ssyncadd.s32 $0xFFFFEC00  }
0x5c: {  	[tilespmem:s17], [sflag:$0x1] =	stream.indirect.gather [hbm4b:s5+s16], $0x80, s28, s16, $0xb8;
	[tilespmem:$0x1E800] =	vst v63  }
0x5d: {  	s29 =	simm.s32 $0x80  }
0x5e: {  	[tilespmem:s18], [sflag:$0x2] =	stream.indirect.gather [hbm4b:s5+s16], $0x80, s29, s16, $0xb8;
	[tilespmem:$0x1E800] =	vst v63  }
0x5f: {  	_ =	swait.ge [sflag:s19], $0x4000  }
0x60: {  	[sflag:s19] =	ssyncset.done $0x0  }
0x61: {  	s30 =	simm.s32 $0x1400;
	[sflag:s19] =	ssyncadd.s32 $0xFFFFC000  }
0x62: {  	[spmem:s2] =	stream.indirect.scatter.add.f32 [tilespmem:s17], [sflag:$0x3], $0x80, s30, s16, $0xb8;
	[tilespmem:$0x1E800] =	vst v63  }
0x63: {  	_ =	swait.ge [sflag:s14], $0x4000  }
0x64: {  	[sflag:s14] =	ssyncset.done $0x0  }
0x65: {  	[sflag:s14] =	ssyncadd.s32 $0xFFFFC000  }
0x66: {  	_ =	swait.ge [sflag:s20], $0x4000  }
0x67: {  	[sflag:s20] =	ssyncset.done $0x0  }
0x68: {  	s31 =	simm.s32 $0x1480;
	[sflag:s20] =	ssyncadd.s32 $0xFFFFC000  }
0x69: {  	[spmem:s2] =	stream.indirect.scatter.add.f32 [tilespmem:s18], [sflag:$0x3], $0x80, s31, s16, $0xb8;
	[tilespmem:$0x1E800] =	vst v63  }
0x6a: {  	_ =	swait.ge [sflag:s14], $0x4000  }
0x6b: {  	s23 =	simm.s32 $0x800;
	s22 =	simm.s32 $0x400;
	[sflag:s14] =	ssyncset.done $0x0  }
.LBB2_4:
0x6c: {  	s24 =	sshra.s32 s22, $0x2  }
0x6d: {  	[sflag:s14] =	ssyncadd.s32 $0xFFFFC000;
	s22 =	smov.u32 s23;
	s25 =	sadd.s32 $0x400, s23  }
0x6e: {  	[tilespmem:s17], [sflag:$0x1] =	stream.indirect.gather [hbm4b:s5+s16], $0x80, s24, s16, $0xb8;
	[tilespmem:$0x1E800] =	vst v63  }
0x6f: {  	p0 =	sne.s32 s23, $0x4C00;
	s23 =	sadd.s32 $0x80, s24  }
0x70: {  	[tilespmem:s18], [sflag:$0x2] =	stream.indirect.gather [hbm4b:s5+s16], $0x80, s23, s16, $0xb8;
	[tilespmem:$0x1E800] =	vst v63  }
0x71: {  	_ =	swait.ge [sflag:s19], $0x4000  }
0x72: {  	[sflag:s19] =	ssyncset.done $0x0  }
0x73: {  	s23 =	sadd.s32 $0x1400, s24;
	[sflag:s19] =	ssyncadd.s32 $0xFFFFC000  }
0x74: {  	[spmem:s2] =	stream.indirect.scatter.add.f32 [tilespmem:s17], [sflag:$0x3], $0x80, s23, s16, $0xb8;
	[tilespmem:$0x1E800] =	vst v63  }
0x75: {  	_ =	swait.ge [sflag:s14], $0x4000  }
0x76: {  	[sflag:s14] =	ssyncset.done $0x0  }
0x77: {  	[sflag:s14] =	ssyncadd.s32 $0xFFFFC000  }
0x78: {  	_ =	swait.ge [sflag:s20], $0x4000  }
.Ltmp1:
0x79: {  	[sflag:s20] =	ssyncset.done $0x0;
	(pc) =	sbr.rel @p0 .LBB2_4-.Ltmp1, $4  }
0x7a: {  	s23 =	sadd.s32 $0x1480, s24;
	[sflag:s20] =	ssyncadd.s32 $0xFFFFC000  }
0x7b: {  	[spmem:s2] =	stream.indirect.scatter.add.f32 [tilespmem:s18], [sflag:$0x3], $0x80, s23, s16, $0xb8;
	[tilespmem:$0x1E800] =	vst v63  }
0x7c: {  	_ =	swait.ge [sflag:s14], $0x4000  }
0x7d: {  	s23 =	smov.u32 s25;
	[sflag:s14] =	ssyncset.done $0x0  }
0x7e: {  	s22 =	sshra.s32 s22, $0x2;
	[sflag:s14] =	ssyncadd.s32 $0xFFFFC000  }
0x7f: {  	[tilespmem:s17], [sflag:$0x1] =	stream.indirect.gather [hbm4b:s5+s16], $0x80, s22, s16, $0xb8;
	[tilespmem:$0x1E800] =	vst v63  }
0x80: {  	s23 =	sadd.s32 $0x80, s22  }
0x81: {  	[tilespmem:s18], [sflag:$0x2] =	stream.indirect.gather [hbm4b:s5+s16], $0x80, s23, s16, $0xb8;
	[tilespmem:$0x1E800] =	vst v63  }
0x82: {  	_ =	swait.ge [sflag:s19], $0x4000  }
0x83: {  	[sflag:s19] =	ssyncset.done $0x0  }
0x84: {  	s31 =	sadd.s32 $0x1400, s22;
	[sflag:s19] =	ssyncadd.s32 $0xFFFFC000  }
0x85: {  	[spmem:s2] =	stream.indirect.scatter.add.f32 [tilespmem:s17], [sflag:$0x3], $0x80, s31, s16, $0xb8;
	[tilespmem:$0x1E800] =	vst v63  }
0x86: {  	_ =	swait.ge [sflag:s14], $0x4000  }
0x87: {  	[sflag:s14] =	ssyncset.done $0x0  }
0x88: {  	[sflag:s14] =	ssyncadd.s32 $0xFFFFC000  }
0x89: {  	_ =	swait.ge [sflag:s20], $0x4000  }
0x8a: {  	[sflag:s20] =	ssyncset.done $0x0  }
0x8b: {  	s22 =	sadd.s32 $0x1480, s22;
	[sflag:s20] =	ssyncadd.s32 $0xFFFFC000  }
0x8c: {  	[spmem:s2] =	stream.indirect.scatter.add.f32 [tilespmem:s18], [sflag:$0x3], $0x80, s22, s16, $0xb8;
	[tilespmem:$0x1E800] =	vst v63  }
0x8d: {  	_ =	swait.ge [sflag:s14], $0x4000  }
0x8e: {  	s21 =	sadd.s32 $0x1, s21;
	[sflag:s14] =	ssyncset.done $0x0  }
0x8f: {  	p0 =	sne.s32 s21, s12;
	[sflag:s14] =	ssyncadd.s32 $0xFFFFC000  }
.Ltmp2:
0x90: {  	[bflag:$0x0] =	sbarrier.arrive $0xFFFF;
	(pc) =	sbr.rel @p0 .LBB2_1-.Ltmp2, $4  }
0x91: {  	[hbm:s11], [sflag:s6] =	dma.local [spmem:s13], $0x2800  }
0x92: {  	_ =	swait.ge [sflag:s14], $0x2800  }
0x93: {  	[sflag:s14] =	ssyncset.done $0x0  }
0x94: {  	[sflag:s14] =	ssyncadd.s32 $0xFFFFD800  }
0x95: {  	_ =	sfence.sel $0x180000  }
0x96: {  	[bflag:$0x0] =	sbarrier.arrive $0xFFFF  }
0x97: {  	p0 =	sne.s32 s3, $0x0;
	_ =	strace $0x9000004A  }
0x98: {  	s0 =	sadd.s32 @!p0 $0x100000, s0;
	[bflag:$0x2] =	sbarrier.arrive $0xFFFF  }
0x99: {  	[sflag:s0] =	ssyncadd.tile.s32 @!p0 $0x1;
	_ =	shalt  }
.Lfunc_end2:
_tile_overlayer_lowered:
.L_overlay_start_2:
0x9a: {  	(tag) =	ssettag $0x2  }
0x9b: {  	s0 =	rddreg [dreg:$0x0];
	s2 =	stileid.u32  }
0x9c: {  	s1 =	rddreg [dreg:$0x1];
	p0 =	sne.s32 s2, $0x0  }
0x9d: {  	s3 =	rddreg [dreg:$0x2];
	[bflag:$0x3] =	sbarrier.arrive $0xFFFF;
	s2 =	simm.s32 @!p0 $0x1C03  }
0x9e: {  	[timem:s3], [sflag:s2] =	dma.local @!p0 [hbm:s0], s1  }
0x9f: {  	s0 =	simm.s32 @!p0 $0x3  }
0xa0: {  	_ =	swait.ge @!p0 [sflag:s0], s1  }
0xa1: {  	s1 =	ssub.s32 @!p0 $0x0, s1;
	[sflag:s0] =	ssyncset.done @!p0 $0x0  }
0xa2: {  	[sflag:s0] =	ssyncadd.s32 @!p0 s1  }
0xa3: {  	[bflag:$0x3] =	sbarrier.arrive $0xFFFF  }
0xa4: {  	_ =	shalt  }

// kernel: kernel.7.cloned.1.call-start
scs
__scs_entry_jumppad:
0x0: {  	(pc) =	sbr.rel $0x88, $3  }
0x1: {  	(tag) =	ssettag $0x0;
	lr =	simm.s32 $0x1  }
0x2: {  	[smem:$0x3F9D] =	sst lr;
	_ =	strace $0xD0000000  }
0x3: {  	_ = 	snop  }
0x4: {  	_ = 	snop  }
0x5: {  	_ = 	snop  }
0x6: {  	_ = 	snop  }
0x7: {  	_ = 	snop  }
__scs_overlays_trampoline_lowered:
0x8: {  	[smem:$0x3FAC] =	sst s0  }
0x9: {  	[smem:$0x3FAD] =	sst s1  }
0xa: {  	[smem:$0x3FAE] =	sst s2  }
0xb: {  	[smem:$0x3FAF] =	sst s3  }
0xc: {  	[smem:$0x3FB0] =	sst s4  }
0xd: {  	[smem:$0x3FB1] =	sst s5  }
0xe: {  	[smem:$0x3FB2] =	sst s6  }
0xf: {  	[smem:$0x3FB3] =	sst s7  }
0x10: {  	[smem:$0x3FB4] =	sst s8  }
0x11: {  	[smem:$0x3FB5] =	sst s9;
	s0 =	simm.s32 @!p0 $0x0  }
0x12: {  	s1 =	sld [smem:$0x3F9B];
	s0 =	simm.s32 @p0 $0x1  }
0x13: {  	[smem:$0x3FB6] =	sst s0;
	s0 =	simm.s32 @!p1 $0x0  }
0x14: {  	s2 =	sld [smem:$0x3F9A];
	s0 =	simm.s32 @p1 $0x1  }
0x15: {  	[smem:$0x3FB7] =	sst s0;
	s0 =	simm.s32 @!p2 $0x0  }
0x16: {  	s3 =	sld [smem:$0x3FDB];
	s0 =	simm.s32 @p2 $0x1  }
0x17: {  	s4 =	simm.s32 $0x1BF5;
	[smem:$0x3FB9] =	sst s0  }
0x18: {  	s0 =	sld [smem:$0x3F9C];
	_ =	swait.ge [sflag:s4], $0x0  }
0x19: {  	s7 =	sld [smem:$0x3F9D]  }
0x1a: {  	s8 =	sadd.s32 $0xFFFFE003, lr  }
0x1b: {  	s9 =	sadd.s32 $0xFFFFFEF7, lr;
	s5 =	simm.s32 $0xFFFFFFFF;
	p2 =	slt.u32 s8, $0xFFFFF086  }
0x1c: {  	p1 =	slt.u32 s9, $0xF7A;
	s5 =	simm.s32 @!p2 $0x0  }
0x1d: {  	s5 =	simm.s32 @p1 $0x1;
	p0 =	seq.s32 s7, s2  }
0x1e: {  	s7 =	smul.u32 @!p0 $0xF7A, s2;
	p2 =	seq.s32 @!p0 s5, $0x0  }
0x1f: {  	s9 =	smul.u32 $0xF7A, s1;
	s8 =	simm.s32 @!p0 $0x1BF5;
	p2 =	por !p2, p0  }
0x20: {  	[sflag:s8] =	ssyncset.s32 @!p0 $0xFFFFF086;
	s6 =	sadd.s32 @!p0 s3, s7;
	s7 =	simm.s32 @!p0 $0x108  }
0x21: {  	s3 =	sadd.s32 s3, s9;
	s6 =	sadd.s32 @!p0 $0x88, s6;
	s7 =	simm.s32 @p2 $0x1082  }
0x22: {  	[simem:s7], [sflag:s8] =	dma.local @!p0 [hbm:s6], $0xF7A  }
0x23: {  	s9 =	sor.u32 $0xD0000000, s2;
	s6 =	simm.s32 $0x108;
	_ =	swait.ge @!p0 [sflag:s8], $0x0  }
0x24: {  	s3 =	sadd.s32 $0x88, s3;
	s6 =	simm.s32 @!p1 $0x1082;
	[sflag:s4] =	ssyncset.s32 $0xFFFFF086  }
0x25: {  	[simem:s6], [sflag:s4] =	dma.local [hbm:s3], $0xF7A  }
0x26: {  	[smem:$0x3F9D] =	sst s1;
	(tag) =	ssettag s2;
	_ =	strace s9  }
0x27: {  	s1 =	sld [smem:$0x3FAD]  }
0x28: {  	s2 =	sld [smem:$0x3FAE]  }
0x29: {  	s4 =	sld [smem:$0x3FB0]  }
0x2a: {  	p0 =	seq.s32 s5, $0x0;
	s5 =	sld [smem:$0x3FB1]  }
0x2b: {  	s6 =	sld [smem:$0x3FB2]  }
0x2c: {  	s7 =	sld [smem:$0x3FB3]  }
0x2d: {  	s3 =	simm.s32 $0x108;
	s8 =	sld [smem:$0x3FB4]  }
0x2e: {  	s3 =	simm.s32 @!p0 $0x1082;
	s9 =	sld [smem:$0x3FB5]  }
0x2f: {  	lr =	sadd.s32 s0, s3;
	s0 =	sld [smem:$0x3FAC]  }
0x30: {  	s3 =	sld [smem:$0x3FAF]  }
0x31: {  	[smem:$0x3FB8] =	sst s10  }
0x32: {  	s10 =	sld [smem:$0x3FB6];
	_ =	sdelay $0x3  }
0x33: {  	p0 =	seq.s32 s10, $0x1;
	s10 =	sld [smem:$0x3FB8];
	_ =	sdelay $0x3  }
0x34: {  	[smem:$0x3FB8] =	sst s10  }
0x35: {  	s10 =	sld [smem:$0x3FB7];
	_ =	sdelay $0x3  }
0x36: {  	p1 =	seq.s32 s10, $0x1;
	s10 =	sld [smem:$0x3FB8];
	_ =	sdelay $0x3  }
0x37: {  	[smem:$0x3FB8] =	sst s10  }
0x38: {  	s10 =	sld [smem:$0x3FB9]  }
0x39: {  	_ = 	snop;
	(pc) =	sbr.ind lr, $3  }
0x3a: {  	_ = 	snop  }
0x3b: {  	_ = 	snop  }
0x3c: {  	p2 =	seq.s32 s10, $0x1;
	s10 =	sld [smem:$0x3FB8]  }
0x3d: {  	_ =	shalt  }
0x3e: {  	_ =	shalt  }
0x3f: {  	_ =	shalt  }
0x40: {  	_ =	shalt  }
0x41: {  	_ =	shalt  }
0x42: {  	_ =	shalt  }
0x43: {  	_ =	shalt  }
0x44: {  	_ =	shalt  }
0x45: {  	_ =	shalt  }
0x46: {  	_ =	shalt  }
0x47: {  	_ =	shalt  }
0x48: {  	_ =	shalt  }
0x49: {  	_ =	shalt  }
0x4a: {  	_ =	shalt  }
0x4b: {  	_ =	shalt  }
0x4c: {  	_ =	shalt  }
0x4d: {  	_ =	shalt  }
0x4e: {  	_ =	shalt  }
0x4f: {  	_ =	shalt  }
0x50: {  	_ =	shalt  }
0x51: {  	_ =	shalt  }
0x52: {  	_ =	shalt  }
0x53: {  	_ =	shalt  }
0x54: {  	_ =	shalt  }
0x55: {  	_ =	shalt  }
0x56: {  	_ =	shalt  }
0x57: {  	_ =	shalt  }
0x58: {  	_ =	shalt  }
0x59: {  	_ =	shalt  }
0x5a: {  	_ =	shalt  }
0x5b: {  	_ =	shalt  }
0x5c: {  	_ =	shalt  }
0x5d: {  	_ =	shalt  }
0x5e: {  	_ =	shalt  }
0x5f: {  	_ =	shalt  }
0x60: {  	_ =	shalt  }
0x61: {  	_ =	shalt  }
0x62: {  	_ =	shalt  }
0x63: {  	_ =	shalt  }
0x64: {  	_ =	shalt  }
0x65: {  	_ =	shalt  }
0x66: {  	_ =	shalt  }
0x67: {  	_ =	shalt  }
0x68: {  	_ =	shalt  }
0x69: {  	_ =	shalt  }
0x6a: {  	_ =	shalt  }
0x6b: {  	_ =	shalt  }
0x6c: {  	_ =	shalt  }
0x6d: {  	_ =	shalt  }
0x6e: {  	_ =	shalt  }
0x6f: {  	_ =	shalt  }
0x70: {  	_ =	shalt  }
0x71: {  	_ =	shalt  }
0x72: {  	_ =	shalt  }
0x73: {  	_ =	shalt  }
0x74: {  	_ =	shalt  }
0x75: {  	_ =	shalt  }
0x76: {  	_ =	shalt  }
0x77: {  	_ =	shalt  }
0x78: {  	_ =	shalt  }
0x79: {  	_ =	shalt  }
0x7a: {  	_ =	shalt  }
0x7b: {  	_ =	shalt  }
0x7c: {  	_ =	shalt  }
0x7d: {  	_ =	shalt  }
0x7e: {  	_ =	shalt  }
0x7f: {  	_ =	shalt  }
0x80: {  	_ =	shalt  }
0x81: {  	_ =	shalt  }
0x82: {  	_ =	shalt  }
0x83: {  	_ =	shalt  }
0x84: {  	_ =	shalt  }
0x85: {  	_ =	shalt  }
0x86: {  	_ =	shalt  }
0x87: {  	_ =	shalt  }
.Lfunc_end0:
.L_simem_size_0:
called_computation_lowered:
.L_overlay_start_0:
0x88: {  	s2 =	sld [smem:$0x3FD9]  }
0x89: {  	s3 =	sld [smem:$0x3FFE];
	_ =	sdelay $0x1  }
0x8a: {  	s1 =	srdreg.scid  }
0x8b: {  	s0 =	sand.u32 $0x1, s1  }
0x8c: {  	s17 =	sshll.u32 s0, $0xA;
	s2 =	sadd.s32 s3, s2  }
0x8d: {  	s2 =	sadd.s32 s2, s17  }
0x8e: {  	[smem:$0x3FC4] =	sst s2  }
0x8f: {  	_ = 	snop  }
0x90: {  	s2 =	sld [smem:$0x3FD0];
	(tm) =	ssettm $0x1  }
0x91: {  	s18 =	sld [smem:$0x3FFB];
	_ =	sdelay $0x3  }
0x92: {  	_ =	strace s18  }
0x93: {  	s3 =	sld [smem:$0x3FFC];
	_ =	sdelay $0x3  }
0x94: {  	_ =	strace s3  }
0x95: {  	s3 =	sld [smem:$0x3FFD];
	_ =	sdelay $0x3  }
0x96: {  	_ =	strace s3  }
0x97: {  	_ =	strace $0x8FFFFFFF  }
0x98: {  	s19 =	sld [smem:$0x3FDB];
	_ =	sdelay $0x1  }
0x99: {  	s4 =	simm.s32 $_scs_section_size  }
0x9a: {  	s5 =	simm.s32 $_size__tile_overlayer_lowered;
	s6 =	simm.s32 $_tile_overlayer_lowered  }
0x9b: {  	s22 =	simm.s32 $0x1BFF;
	s21 =	sshll.u32 s6, $0x1;
	s3 =	sadd.s32 s4, s19  }
0x9c: {  	s7 =	simm.s32 $0x0;
	s20 =	sshll.u32 s5, $0x1;
	s5 =	sadd.s32 s21, s3  }
0x9d: {  	[timem:s7], [sflag:s22] =	dma.local [hbm:s5], s20  }
0x9e: {  	_ =	swait.ge [sflag:s22], s20  }
0x9f: {  	s4 =	ssub.s32 $0x0, s20;
	[sflag:s22] =	ssyncset.done $0x0  }
0xa0: {  	[sflag:s22] =	ssyncadd.s32 s4;
	_ =	sdelay $0x1  }
0xa1: {  	s23 =	simm.s32 $0x1B8B  }
0xa2: {  	_ =	swait.ge [sflag:s23], $0x1  }
0xa3: {  	[sflag:s23] =	ssyncset.done $0x0  }
0xa4: {  	s25 =	simm.s32 $0x1B8E;
	s24 =	sld [smem:$0x3FFE];
	[sflag:s23] =	ssyncadd.s32 $0xFFFFFFFF  }
0xa5: {  	s26 =	simm.s32 $execute0_lowered;
	[smem:$0x3FD2] =	sst s25  }
0xa6: {  	s5 =	sshll.u32 s26, $0x1;
	_ =	strace $0x80000046;
	[dreg:$0x1] =	wrdreg $0xFFFFFFFF  }
0xa7: {  	s28 =	simm.s32 $_size_execute0_lowered;
	s3 =	sadd.s32 s3, s5;
	[dreg:$0x0] =	wrdreg $0x0  }
0xa8: {  	s5 =	sshll.u32 s28, $0x1;
	[dreg:$0x2] =	wrdreg s3  }
0xa9: {  	[dreg:$0x3] =	wrdreg s5  }
0xaa: {  	[dreg:$0x4] =	wrdreg $0xC0  }
0xab: {  	_ =	task [dreg:s7], $0x5FFFF  }
0xac: {  	[dreg:$0x1] =	wrdreg $0xFFFFFFFF  }
0xad: {  	[dreg:$0x0] =	wrdreg $0x60  }
0xae: {  	[dreg:$0x2] =	wrdreg s2  }
0xaf: {  	[dreg:$0x3] =	wrdreg s24  }
0xb0: {  	[dreg:$0x4] =	wrdreg $0x9  }
0xb1: {  	_ =	task.clear_ibuf [dreg:s7], $0x5FFFF;
	_ =	strace $0x90000046  }
0xb2: {  	s29 =	simm.s32 $0x9;
	_ =	strace $0x80000048  }
0xb3: {  	_ =	swait.ge [sflag:s29], $0x1  }
0xb4: {  	[sflag:s29] =	ssyncadd.s32 $0xFFFFFFFF  }
0xb5: {  	_ =	strace $0x90000048  }
0xb6: {  	_ =	sfence  }
0xb7: {  	s30 =	sld [smem:$0x0];
	_ =	sdelay $0x2  }
0xb8: {  	s31 =	sshll.u32 s1, $0xD;
	s1 =	sshrl.u32 s1, $0x2  }
0xb9: {  	s3 =	sand.u32 $0x4000, s31;
	s1 =	sadd.s32 s1, s30  }
0xba: {  	s0 =	sor.u32 s3, s0;
	s1 =	sshll.u32 s1, $0x11  }
0xbb: {  	s0 =	sor.u32 s1, s0  }
0xbc: {  	s0 =	sadd.s32 $0x8F2B, s0  }
0xbd: {  	[sflag:s0] =	ssyncadd.remote.s32 $0x1  }
0xbe: {  	_ =	sfence.sel $0xFFFF  }
0xbf: {  	[dreg:$0x0] =	wrdreg $0xFFFFFFFF;
	(pc) =	sbr.abs _section_cstart, $3  }
0xc0: {  	[dreg:$0x1] =	wrdreg $0xFFFFFFFF  }
0xc1: {  	_ =	task.clear_ibuf [dreg:s7], $0x2FFFF;
	_ =	strace $0x9FFFFFFF  }
0xc2: {  	(tm) =	ssettm $0x7FFFFFFF  }
0xc3: {  	_ =	shalt  }
tec
execute0_lowered:
.L_overlay_start_1:
0x0: {  	(tag) =	ssettag $0x1  }
0x1: {  	s0 =	srdreg.scid;
	s4 =	rddreg [dreg:$0x0]  }
0x2: {  	s5 =	rddreg [dreg:$0x1];
	s3 =	sand.u32 $0x1, s0  }
0x3: {  	s2 =	simm.s32 $0x0;
	s0 =	stileid.u32;
	s1 =	sshll.u32 s3, $0x4  }
0x4: {  	s9 =	simm.s32 $0x80;
	s10 =	simm.s32 $0x400;
	s6 =	sor.u32 s0, s1  }
0x5: {  	s11 =	simm.s32 $0x0;
	[smem:$0x7FF] =	sst s2;
	s7 =	sshrl.u32 s6, $0x3  }
0x6: {  	s8 =	sshll.u32 s0, $0x7;
	s30 =	ssub.s32 $0x2, s3;
	s7 =	smul.u32 $0x14000, s7  }
0x7: {  	s3 =	sadd.s32 $0x1200, s5;
	s8 =	sand.u32 $0x380, s8;
	s6 =	smul.u32 $0x500, s6  }
0x8: {  	s1 =	rddreg [dreg:$0x2];
	_ =	strace $0x80000047;
	s7 =	sor.u32 s8, s7  }
0x9: {  	s31 =	sshrl.u32 s30, $0x1;
	s4 =	sadd.s32 s4, s6;
	s7 =	sshrl.u32 s7, $0x3  }
0xa: {  	s8 =	simm.s32 $0x2800;
	s5 =	sadd.s32 s7, s5;
	s7 =	ssub.s32 s30, s31  }
0xb: {  	v0 =	vimm.f32 $1.000000000e+00;
	s5 =	sadd.s32 $0x1800, s5;
	s6 =	smax.u32 s7, $0x1;
	s7 =	simm.s32 $0x1  }
.LBB2_1:
0xc: {  	[tilespmem:s2], [sflag:$0x1] =	stream.linear.gather [hbm4b:s4+s2], $0x2800, $0x38;
	[tilespmem:$0x5000] =	vst v63  }
0xd: {  	_ =	swait.ge [sflag:s7], $0x2800  }
0xe: {  	[sflag:s7] =	ssyncset.done $0x0  }
0xf: {  	[sflag:s7] =	ssyncadd.s32 $0xFFFFD800  }
0x10: {  	[tilespmem:s8], [sflag:$0x1] =	stream.linear.gather [hbm4b:s3+s2], $0x2800, $0x38;
	[tilespmem:$0x5000] =	vst v63  }
0x11: {  	_ =	swait.ge [sflag:s7], $0x2800  }
0x12: {  	[sflag:s7] =	ssyncset.done $0x0  }
0x13: {  	s13 =	simm.s32 $0x0;
	s12 =	simm.s32 $0x40;
	[sflag:s7] =	ssyncadd.s32 $0xFFFFD800  }
.LBB2_2:
0x14: {  	p0 =	sne.s32 s12, $0x9FC0;
	v1 =	vld [tilespmem:s13+$0x0];
	_ =	sdelay $0x3  }
.Ltmp0:
0x15: {  	(pc) =	sbr.rel @p0 .LBB2_2-.Ltmp0, $2  }
0x16: {  	_ =	sdelay $0x2  }
0x17: {  	s13 =	sshra.s32 s12, $0x2;
	s12 =	sadd.s32 $0x40, s12;
	[tilespmem:v1+s8+$0x0] =	vst.idx.add.f32.msk $0xffff, v0  }
0x18: {  	v1 =	vld [tilespmem:s13+$0x0];
	_ =	sdelay $0x5  }
0x19: {  	s11 =	sadd.s32 $0x1, s11  }
0x1a: {  	p0 =	sne.s32 s11, s6  }
.Ltmp1:
0x1b: {  	[tilespmem:v1+s8+$0x0] =	vst.idx.add.f32.msk $0xffff, v0;
	(pc) =	sbr.rel @p0 .LBB2_1-.Ltmp1, $4  }
0x1c: {  	[hbm4b:s5+s9] =	stream.strided.scatter [tilespmem:s8], [sflag:$0x1], $0x2800, s10, s9, $0x38;
	[tilespmem:$0x5000] =	vst v63  }
0x1d: {  	_ =	swait.ge [sflag:s7], $0x2800  }
0x1e: {  	[sflag:s7] =	ssyncset.done $0x0  }
0x1f: {  	[sflag:s7] =	ssyncadd.s32 $0xFFFFD800  }
0x20: {  	_ =	sfence.sel $0x180000  }
0x21: {  	[bflag:$0x0] =	sbarrier.arrive $0xFFFF  }
0x22: {  	p0 =	sne.s32 s0, $0x0;
	_ =	strace $0x90000047  }
0x23: {  	s0 =	sadd.s32 @!p0 $0x100000, s1;
	[bflag:$0x2] =	sbarrier.arrive $0xFFFF  }
0x24: {  	[sflag:s0] =	ssyncadd.tile.s32 @!p0 $0x1;
	_ =	shalt  }
.Lfunc_end2:
_tile_overlayer_lowered:
.L_overlay_start_2:
0x25: {  	(tag) =	ssettag $0x2  }
0x26: {  	s0 =	rddreg [dreg:$0x0];
	s2 =	stileid.u32  }
0x27: {  	s1 =	rddreg [dreg:$0x1];
	p0 =	sne.s32 s2, $0x0  }
0x28: {  	s3 =	rddreg [dreg:$0x2];
	[bflag:$0x3] =	sbarrier.arrive $0xFFFF;
	s2 =	simm.s32 @!p0 $0x1C01  }
0x29: {  	[timem:s3], [sflag:s2] =	dma.local @!p0 [hbm:s0], s1  }
0x2a: {  	s0 =	simm.s32 @!p0 $0x1  }
0x2b: {  	_ =	swait.ge @!p0 [sflag:s0], s1  }
0x2c: {  	s1 =	ssub.s32 @!p0 $0x0, s1;
	[sflag:s0] =	ssyncset.done @!p0 $0x0  }
0x2d: {  	[sflag:s0] =	ssyncadd.s32 @!p0 s1  }
0x2e: {  	[bflag:$0x3] =	sbarrier.arrive $0xFFFF  }
0x2f: {  	_ =	shalt  }

</sc_bundles>
